<compile_context>
chip_gen: v7x
topology: tpu7x:2x2x1
jax: 0.10.2.dev20260603
libtpu: 0.0.44.dev20260713+nightly
codegen_flags: <defaults>
</compile_context>

<pallas_src>
import functools

import jax
import jax.numpy as jnp
from jax import lax
from jax.experimental import pallas as pl
from jax.experimental.pallas import tpu as pltpu
from jax.experimental.pallas import tpu_sc as plsc

B = 16
N = 8192
G = 512
M = 32
TG = 256
BIG = 3.0e38


def _fps_body(xp_ref, yp_ref, zp_ref, cx_ref, cy_ref, cz_ref, dist_ref):
    lane = lax.broadcasted_iota(jnp.int32, (B, N), 1)
    gcol = lax.broadcasted_iota(jnp.int32, (B, G), 1)
    dist_ref[...] = jnp.full((B, N), 1e10, jnp.float32)

    def step(t, carry):
        far, ax, ay, az = carry
        xp = xp_ref[...]
        yp = yp_ref[...]
        zp = zp_ref[...]
        oh = lane == far
        cx = jnp.sum(jnp.where(oh, xp, 0.0), axis=1, keepdims=True)
        cy = jnp.sum(jnp.where(oh, yp, 0.0), axis=1, keepdims=True)
        cz = jnp.sum(jnp.where(oh, zp, 0.0), axis=1, keepdims=True)
        sel = gcol == t
        ax = jnp.where(sel, cx, ax)
        ay = jnp.where(sel, cy, ay)
        az = jnp.where(sel, cz, az)
        d = (xp - cx) ** 2 + (yp - cy) ** 2 + (zp - cz) ** 2
        dist = jnp.minimum(dist_ref[...], d)
        dist_ref[...] = dist
        m = jnp.max(dist, axis=1, keepdims=True)
        far_new = jnp.min(jnp.where(dist == m, lane, N), axis=1, keepdims=True)
        return far_new, ax, ay, az

    zc = jnp.zeros((B, G), jnp.float32)
    _, ax, ay, az = lax.fori_loop(
        0, G, step, (jnp.zeros((B, 1), jnp.int32), zc, zc, zc))
    cx_ref[...] = ax
    cy_ref[...] = ay
    cz_ref[...] = az


def _fps(xp, yp, zp, *, interpret=False):
    out = jax.ShapeDtypeStruct((B, G), jnp.float32)
    return pl.pallas_call(
        _fps_body,
        out_shape=(out, out, out),
        scratch_shapes=[pltpu.VMEM((B, N), jnp.float32)],
        interpret=interpret,
    )(xp, yp, zp)


def _knn_body(x_ref, c_ref, q2_ref, r2_ref, idx_ref, key_ref, row_ref):
    e = lax.dot_general(c_ref[0], x_ref[0], (((1,), (1,)), ((), ())))
    key_ref[...] = jnp.sqrt(
        jnp.maximum((q2_ref[...] + r2_ref[0]) - 2.0 * e, 0.0))
    lane = lax.broadcasted_iota(jnp.int32, (1, N), 1)

    def step(t, carry):
        key = key_ref[...]
        m = jnp.min(key, axis=1, keepdims=True)
        cand = jnp.where(key == m, lane, N)
        idx = jnp.min(cand, axis=1, keepdims=True)
        row_ref[pl.ds(t, 1), :, :] = idx[None]
        key_ref[...] = jnp.where(lane == idx, BIG, key)
        return carry

    lax.fori_loop(0, M, step, 0)
    idx_ref[0] = row_ref[:, :, 0]


def _knn(xyz, cent3, q2, r2, *, interpret=False):
    gt = G // TG
    col = lambda b, g: (b * gt + g, 0)
    return pl.pallas_call(
        _knn_body,
        grid=(B, gt),
        in_specs=[
            pl.BlockSpec((1, N, 3), lambda b, g: (b, 0, 0)),
            pl.BlockSpec((1, TG, 3), lambda b, g: (b, g, 0)),
            pl.BlockSpec((TG, 1), col),
            pl.BlockSpec((1, 1, N), lambda b, g: (b, 0, 0)),
        ],
        out_specs=pl.BlockSpec((1, M, TG), lambda b, g: (b, 0, g)),
        out_shape=jax.ShapeDtypeStruct((B, M, G), jnp.int32),
        scratch_shapes=[pltpu.VMEM((TG, N), jnp.float32),
                        pltpu.VMEM((M, TG, 1), jnp.int32)],
        interpret=interpret,
    )(xyz, cent3, q2, r2)


GH = G // 2


def _gather_body(xyzp, cent, idxT, out,
                 xv, yv, zv, cxv, cyv, czv, iv, oxv, oyv, ozv):
    wid = lax.axis_index("s") * 2 + lax.axis_index("c")
    b = wid // 2
    base = (wid % 2) * GH
    pltpu.sync_copy(xyzp.at[0, b], xv)
    pltpu.sync_copy(xyzp.at[1, b], yv)
    pltpu.sync_copy(xyzp.at[2, b], zv)
    pltpu.sync_copy(cent.at[0, b, pl.ds(base, GH)], cxv)
    pltpu.sync_copy(cent.at[1, b, pl.ds(base, GH)], cyv)
    pltpu.sync_copy(cent.at[2, b, pl.ds(base, GH)], czv)
    pltpu.sync_copy(idxT.at[b, :, pl.ds(base, GH)], iv)

    def step(i, carry):
        m = i & (M - 1)
        g0 = (i >> 5) * 16
        ix = iv[m, pl.ds(g0, 16)]
        cxs = cxv[pl.ds(g0, 16)]
        cys = cyv[pl.ds(g0, 16)]
        czs = czv[pl.ds(g0, 16)]
        oxv[m, pl.ds(g0, 16)] = plsc.load_gather(xv, [ix]) - cxs
        oyv[m, pl.ds(g0, 16)] = plsc.load_gather(yv, [ix]) - cys
        ozv[m, pl.ds(g0, 16)] = plsc.load_gather(zv, [ix]) - czs
        return carry

    lax.fori_loop(0, M * GH // 16, step, 0)
    pltpu.sync_copy(oxv, out.at[0, b, :, pl.ds(base, GH)])
    pltpu.sync_copy(oyv, out.at[1, b, :, pl.ds(base, GH)])
    pltpu.sync_copy(ozv, out.at[2, b, :, pl.ds(base, GH)])


def _gather(xyzp, cent, idxT):
    mesh = plsc.VectorSubcoreMesh(core_axis_name="c", subcore_axis_name="s")
    fn = pl.kernel(
        _gather_body,
        out_type=jax.ShapeDtypeStruct((3, B, M, G), jnp.float32),
        mesh=mesh,
        compiler_params=pltpu.CompilerParams(needs_layout_passes=False),
        scratch_types=[
            pltpu.VMEM((N,), jnp.float32),
            pltpu.VMEM((N,), jnp.float32),
            pltpu.VMEM((N,), jnp.float32),
            pltpu.VMEM((GH,), jnp.float32),
            pltpu.VMEM((GH,), jnp.float32),
            pltpu.VMEM((GH,), jnp.float32),
            pltpu.VMEM((M, GH), jnp.int32),
            pltpu.VMEM((M, GH), jnp.float32),
            pltpu.VMEM((M, GH), jnp.float32),
            pltpu.VMEM((M, GH), jnp.float32),
        ],
    )
    return fn(xyzp, cent, idxT)


def kernel(xyz):
    xyzp = jnp.transpose(xyz, (2, 0, 1))
    xp, yp, zp = xyzp[0], xyzp[1], xyzp[2]
    cx, cy, cz = _fps(xp, yp, zp)
    center = jnp.stack([cx, cy, cz], axis=-1)
    q2 = jnp.sum(center ** 2, axis=-1).reshape(B * G, 1)
    r2 = jnp.sum(xyz ** 2, axis=-1).reshape(B, 1, N)
    idxT = _knn(xyz, center, q2, r2)
    cent = jnp.stack([cx, cy, cz], axis=0)
    nbh = _gather(xyzp, cent, idxT)
    neighborhood = jnp.transpose(nbh, (1, 3, 2, 0))
    return neighborhood, center

# --- scband reference (transcript-rebuilt; emitter-appended) ---
"""Pipeline reference for scband-group-28063316312782 (READ-ONLY COPY).

The authoritative reference and input builder live on the scoring server;
editing this copy changes nothing except your own understanding.
"""

import jax, jax.numpy as jnp
import numpy as np
from jax import lax

NUM_GROUP = 512
GROUP_SIZE = 32


def setup_inputs(seed: int = 0) -> dict:
    key = jax.random.key(seed)
    xyz = jax.random.normal(key, (16, 8192, 3), dtype=jnp.float32)
    return {"xyz": xyz}


def fps_jax(xyz, npoint):
    # Farthest Point Sampling (deterministic start at index 0 instead of randint)
    B, N, C = xyz.shape
    batch_idx = jnp.arange(B)
    distance0 = jnp.full((B, N), 1e10, dtype=xyz.dtype)
    farthest0 = jnp.zeros((B,), dtype=jnp.int32)

    def step(carry, _):
        distance, farthest = carry
        centroid = xyz[batch_idx, farthest, :][:, None, :]
        dist = jnp.sum((xyz - centroid) ** 2, axis=-1)
        distance = jnp.minimum(distance, dist)
        new_far = jnp.argmax(distance, axis=-1).astype(jnp.int32)
        return (distance, new_far), farthest

    (_, _), cent = lax.scan(step, (distance0, farthest0), None, length=npoint)
    centroids = cent.T  # (B, npoint)
    idx = jnp.broadcast_to(centroids[:, :, None], (B, npoint, C))
    sampled = jnp.take_along_axis(xyz, idx, axis=1)
    return sampled


def knn_jax(ref, query, k):
    # pairwise distances via the |q|^2 + |r|^2 - 2 q.r expansion (equivalent ordering to torch.cdist)
    r2 = jnp.sum(ref ** 2, axis=-1)
    q2 = jnp.sum(query ** 2, axis=-1)
    d2 = q2[:, :, None] + r2[:, None, :] - 2.0 * jnp.einsum('bmd,bnd->bmn', query, ref)
    dist = jnp.sqrt(jnp.maximum(d2, 0.0))
    _, idx = lax.top_k(-dist, k)  # smallest-k
    return idx


def reference(xyz):
    B, N, _ = xyz.shape
    center = fps_jax(xyz, NUM_GROUP)          # (B, G, 3)
    idx = knn_jax(xyz, center, GROUP_SIZE)    # (B, G, M)
    idx_base = jnp.arange(B)[:, None, None] * N
    flat_idx = (idx + idx_base).reshape(-1)
    neighborhood = xyz.reshape(B * N, 3)[flat_idx, :]
    neighborhood = neighborhood.reshape(B, NUM_GROUP, GROUP_SIZE, 3)
    neighborhood = neighborhood - center[:, :, None, :]
    return neighborhood, center

if __name__ == "__main__":
    import jax
    _d = setup_inputs()
    print(jax.jit(kernel)(*tuple(_d.values())))

</pallas_src>

<mosaic_0001>
#map = affine_map<(d0, d1) -> (0, 0, 0)>
#map1 = affine_map<(d0, d1) -> (0, 0, 0, 0)>
module attributes {stable_mosaic.version = 14 : i64} {
  func.func @_gather_body(%arg0: i32, %arg1: i32, %arg2: memref<3x16x8192xf32, #tpu.memory_space<hbm>>, %arg3: memref<3x16x512xf32, #tpu.memory_space<hbm>>, %arg4: memref<16x32x512xi32, #tpu.memory_space<hbm>>, %arg5: memref<3x16x32x512xf32, #tpu.memory_space<hbm>>, %arg6: memref<8192xf32, #tpu.memory_space<vmem>>, %arg7: memref<8192xf32, #tpu.memory_space<vmem>>, %arg8: memref<8192xf32, #tpu.memory_space<vmem>>, %arg9: memref<256xf32, #tpu.memory_space<vmem>>, %arg10: memref<256xf32, #tpu.memory_space<vmem>>, %arg11: memref<256xf32, #tpu.memory_space<vmem>>, %arg12: memref<32x256xi32, #tpu.memory_space<vmem>>, %arg13: memref<32x256xf32, #tpu.memory_space<vmem>>, %arg14: memref<32x256xf32, #tpu.memory_space<vmem>>, %arg15: memref<32x256xf32, #tpu.memory_space<vmem>>) attributes {dimension_semantics = [#tpu.dimension_semantics<core_parallel>, #tpu.dimension_semantics<subcore_parallel>], iteration_bounds = array<i64: 2, 16>, scalar_prefetch = 0 : i64, scratch_operands = 10 : i64, tpu.core_type = #tpu.core_type<sc_vector_subcore>, window_params = [{transform_indices = #map}, {transform_indices = #map}, {transform_indices = #map}, {transform_indices = #map1}]} {
    %mul3A = arith.constant 2 : i32
    %mul3A_0 = arith.muli %arg1, %mul3A : i32
    %add3A = arith.addi %mul3A_0, %arg0 : i32
    %jit3A = arith.constant 2 : i32
    %div3A = arith.divsi %add3A, %jit3A : i32
    %sign3A = arith.constant 0 : i32
    %sign3A_1 = arith.cmpi sgt, %add3A, %sign3A : i32
    %sign3A_2 = arith.extui %sign3A_1 : i1 to i32
    %sign3A_3 = arith.constant 0 : i32
    %sign3A_4 = arith.cmpi slt, %add3A, %sign3A_3 : i32
    %sign3A_5 = arith.extui %sign3A_4 : i1 to i32
    %sign3A_6 = arith.subi %sign3A_2, %sign3A_5 : i32
    %sign3A_7 = arith.constant 0 : i32
    %sign3A_8 = arith.cmpi sgt, %jit3A, %sign3A_7 : i32
    %sign3A_9 = arith.extui %sign3A_8 : i1 to i32
    %sign3A_10 = arith.constant 0 : i32
    %sign3A_11 = arith.cmpi slt, %jit3A, %sign3A_10 : i32
    %sign3A_12 = arith.extui %sign3A_11 : i1 to i32
    %sign3A_13 = arith.subi %sign3A_9, %sign3A_12 : i32
    %ne3A = arith.cmpi ne, %sign3A_6, %sign3A_13 : i32
    %rem3A = arith.remsi %add3A, %jit3A : i32
    %ne3A_14 = arith.constant 0 : i32
    %ne3A_15 = arith.cmpi ne, %rem3A, %ne3A_14 : i32
    %and3A = arith.andi %ne3A, %ne3A_15 : i1
    %sub3A = arith.constant 1 : i32
    %sub3A_16 = arith.subi %div3A, %sub3A : i32
    %select_n3A = arith.select %and3A, %sub3A_16, %div3A : i32
    %jit3A_17 = arith.constant 2 : i32
    %eq3A = arith.constant 0 : i32
    %eq3A_18 = arith.cmpi eq, %jit3A_17, %eq3A : i32
    %jit3A_19 = arith.constant 1 : i32
    %select_n3A_20 = arith.select %eq3A_18, %jit3A_19, %jit3A_17 : i32
    %rem3A_21 = arith.remsi %add3A, %select_n3A_20 : i32
    %ne3A_22 = arith.constant 0 : i32
    %ne3A_23 = arith.cmpi ne, %rem3A_21, %ne3A_22 : i32
    %lt3A = arith.constant 0 : i32
    %lt3A_24 = arith.cmpi slt, %rem3A_21, %lt3A : i32
    %lt3A_25 = arith.constant 0 : i32
    %lt3A_26 = arith.cmpi slt, %select_n3A_20, %lt3A_25 : i32
    %ne3A_27 = arith.xori %lt3A_24, %lt3A_26 : i1
    %and3A_28 = arith.andi %ne3A_27, %ne3A_23 : i1
    %add3A_29 = arith.addi %rem3A_21, %select_n3A_20 : i32
    %select_n3A_30 = arith.select %and3A_28, %add3A_29, %rem3A_21 : i32
    %mul3A_31 = arith.constant 256 : i32
    %mul3A_32 = arith.muli %select_n3A_30, %mul3A_31 : i32
    %run_scoped3A = arith.constant 0 : i32
    "tpu.region"() ({
      %run_scoped3A_46 = tpu.sem_alloc : memref<!tpu.dma_semaphore, #tpu.memory_space<semaphore_mem>>
      %dma_start3A = arith.constant 0 : i32
      %dma_start3A_47 = tpu.memref_slice %arg2[%run_scoped3A, %select_n3A, %dma_start3A] : memref<3x16x8192xf32, #tpu.memory_space<hbm>> -> memref<1x1x8192xf32, #tpu.memory_space<hbm>>
      %dma_start3A_48 = tpu.memref_squeeze %dma_start3A_47 : memref<1x1x8192xf32, #tpu.memory_space<hbm>> -> memref<8192xf32, #tpu.memory_space<hbm>>
      %dma_start3A_49 = arith.constant 0 : i32
      %dma_start3A_50 = tpu.memref_slice %arg2[%run_scoped3A, %select_n3A, %dma_start3A_49] : memref<3x16x8192xf32, #tpu.memory_space<hbm>> -> memref<1x1x8192xf32, #tpu.memory_space<hbm>>
      %dma_start3A_51 = tpu.memref_squeeze %dma_start3A_50 : memref<1x1x8192xf32, #tpu.memory_space<hbm>> -> memref<8192xf32, #tpu.memory_space<hbm>>
      tpu.enqueue_dma source(%dma_start3A_51 : memref<8192xf32, #tpu.memory_space<hbm>>) target(%arg6 : memref<8192xf32, #tpu.memory_space<vmem>>) target_semaphore(%run_scoped3A_46 : memref<!tpu.dma_semaphore, #tpu.memory_space<semaphore_mem>>)
      %dma_wait3A = arith.constant 0 : i32
      %dma_wait3A_52 = tpu.memref_slice %arg2[%run_scoped3A, %select_n3A, %dma_wait3A] : memref<3x16x8192xf32, #tpu.memory_space<hbm>> -> memref<1x1x8192xf32, #tpu.memory_space<hbm>>
      %dma_wait3A_53 = tpu.memref_squeeze %dma_wait3A_52 : memref<1x1x8192xf32, #tpu.memory_space<hbm>> -> memref<8192xf32, #tpu.memory_space<hbm>>
      %dma_wait3A_54 = arith.constant 0 : i32
      %dma_wait3A_55 = tpu.memref_slice %arg2[%run_scoped3A, %select_n3A, %dma_wait3A_54] : memref<3x16x8192xf32, #tpu.memory_space<hbm>> -> memref<1x1x8192xf32, #tpu.memory_space<hbm>>
      %dma_wait3A_56 = tpu.memref_squeeze %dma_wait3A_55 : memref<1x1x8192xf32, #tpu.memory_space<hbm>> -> memref<8192xf32, #tpu.memory_space<hbm>>
      tpu.wait_dma2 semaphore(%run_scoped3A_46 : memref<!tpu.dma_semaphore, #tpu.memory_space<semaphore_mem>>) src(%dma_wait3A_56 : memref<8192xf32, #tpu.memory_space<hbm>>) dst(%arg6 : memref<8192xf32, #tpu.memory_space<vmem>>)
      tpu.yield
    }) : () -> ()
    %run_scoped3A_33 = arith.constant 1 : i32
    "tpu.region"() ({
      %run_scoped3A_46 = tpu.sem_alloc : memref<!tpu.dma_semaphore, #tpu.memory_space<semaphore_mem>>
      %dma_start3A = arith.constant 0 : i32
      %dma_start3A_47 = tpu.memref_slice %arg2[%run_scoped3A_33, %select_n3A, %dma_start3A] : memref<3x16x8192xf32, #tpu.memory_space<hbm>> -> memref<1x1x8192xf32, #tpu.memory_space<hbm>>
      %dma_start3A_48 = tpu.memref_squeeze %dma_start3A_47 : memref<1x1x8192xf32, #tpu.memory_space<hbm>> -> memref<8192xf32, #tpu.memory_space<hbm>>
      %dma_start3A_49 = arith.constant 0 : i32
      %dma_start3A_50 = tpu.memref_slice %arg2[%run_scoped3A_33, %select_n3A, %dma_start3A_49] : memref<3x16x8192xf32, #tpu.memory_space<hbm>> -> memref<1x1x8192xf32, #tpu.memory_space<hbm>>
      %dma_start3A_51 = tpu.memref_squeeze %dma_start3A_50 : memref<1x1x8192xf32, #tpu.memory_space<hbm>> -> memref<8192xf32, #tpu.memory_space<hbm>>
      tpu.enqueue_dma source(%dma_start3A_51 : memref<8192xf32, #tpu.memory_space<hbm>>) target(%arg7 : memref<8192xf32, #tpu.memory_space<vmem>>) target_semaphore(%run_scoped3A_46 : memref<!tpu.dma_semaphore, #tpu.memory_space<semaphore_mem>>)
      %dma_wait3A = arith.constant 0 : i32
      %dma_wait3A_52 = tpu.memref_slice %arg2[%run_scoped3A_33, %select_n3A, %dma_wait3A] : memref<3x16x8192xf32, #tpu.memory_space<hbm>> -> memref<1x1x8192xf32, #tpu.memory_space<hbm>>
      %dma_wait3A_53 = tpu.memref_squeeze %dma_wait3A_52 : memref<1x1x8192xf32, #tpu.memory_space<hbm>> -> memref<8192xf32, #tpu.memory_space<hbm>>
      %dma_wait3A_54 = arith.constant 0 : i32
      %dma_wait3A_55 = tpu.memref_slice %arg2[%run_scoped3A_33, %select_n3A, %dma_wait3A_54] : memref<3x16x8192xf32, #tpu.memory_space<hbm>> -> memref<1x1x8192xf32, #tpu.memory_space<hbm>>
      %dma_wait3A_56 = tpu.memref_squeeze %dma_wait3A_55 : memref<1x1x8192xf32, #tpu.memory_space<hbm>> -> memref<8192xf32, #tpu.memory_space<hbm>>
      tpu.wait_dma2 semaphore(%run_scoped3A_46 : memref<!tpu.dma_semaphore, #tpu.memory_space<semaphore_mem>>) src(%dma_wait3A_56 : memref<8192xf32, #tpu.memory_space<hbm>>) dst(%arg7 : memref<8192xf32, #tpu.memory_space<vmem>>)
      tpu.yield
    }) : () -> ()
    %run_scoped3A_34 = arith.constant 2 : i32
    "tpu.region"() ({
      %run_scoped3A_46 = tpu.sem_alloc : memref<!tpu.dma_semaphore, #tpu.memory_space<semaphore_mem>>
      %dma_start3A = arith.constant 0 : i32
      %dma_start3A_47 = tpu.memref_slice %arg2[%run_scoped3A_34, %select_n3A, %dma_start3A] : memref<3x16x8192xf32, #tpu.memory_space<hbm>> -> memref<1x1x8192xf32, #tpu.memory_space<hbm>>
      %dma_start3A_48 = tpu.memref_squeeze %dma_start3A_47 : memref<1x1x8192xf32, #tpu.memory_space<hbm>> -> memref<8192xf32, #tpu.memory_space<hbm>>
      %dma_start3A_49 = arith.constant 0 : i32
      %dma_start3A_50 = tpu.memref_slice %arg2[%run_scoped3A_34, %select_n3A, %dma_start3A_49] : memref<3x16x8192xf32, #tpu.memory_space<hbm>> -> memref<1x1x8192xf32, #tpu.memory_space<hbm>>
      %dma_start3A_51 = tpu.memref_squeeze %dma_start3A_50 : memref<1x1x8192xf32, #tpu.memory_space<hbm>> -> memref<8192xf32, #tpu.memory_space<hbm>>
      tpu.enqueue_dma source(%dma_start3A_51 : memref<8192xf32, #tpu.memory_space<hbm>>) target(%arg8 : memref<8192xf32, #tpu.memory_space<vmem>>) target_semaphore(%run_scoped3A_46 : memref<!tpu.dma_semaphore, #tpu.memory_space<semaphore_mem>>)
      %dma_wait3A = arith.constant 0 : i32
      %dma_wait3A_52 = tpu.memref_slice %arg2[%run_scoped3A_34, %select_n3A, %dma_wait3A] : memref<3x16x8192xf32, #tpu.memory_space<hbm>> -> memref<1x1x8192xf32, #tpu.memory_space<hbm>>
      %dma_wait3A_53 = tpu.memref_squeeze %dma_wait3A_52 : memref<1x1x8192xf32, #tpu.memory_space<hbm>> -> memref<8192xf32, #tpu.memory_space<hbm>>
      %dma_wait3A_54 = arith.constant 0 : i32
      %dma_wait3A_55 = tpu.memref_slice %arg2[%run_scoped3A_34, %select_n3A, %dma_wait3A_54] : memref<3x16x8192xf32, #tpu.memory_space<hbm>> -> memref<1x1x8192xf32, #tpu.memory_space<hbm>>
      %dma_wait3A_56 = tpu.memref_squeeze %dma_wait3A_55 : memref<1x1x8192xf32, #tpu.memory_space<hbm>> -> memref<8192xf32, #tpu.memory_space<hbm>>
      tpu.wait_dma2 semaphore(%run_scoped3A_46 : memref<!tpu.dma_semaphore, #tpu.memory_space<semaphore_mem>>) src(%dma_wait3A_56 : memref<8192xf32, #tpu.memory_space<hbm>>) dst(%arg8 : memref<8192xf32, #tpu.memory_space<vmem>>)
      tpu.yield
    }) : () -> ()
    %run_scoped3A_35 = arith.constant 0 : i32
    "tpu.region"() ({
      %run_scoped3A_46 = tpu.sem_alloc : memref<!tpu.dma_semaphore, #tpu.memory_space<semaphore_mem>>
      %dma_start3A = tpu.memref_slice %arg3[%run_scoped3A_35, %select_n3A, %mul3A_32] : memref<3x16x512xf32, #tpu.memory_space<hbm>> -> memref<1x1x256xf32, #tpu.memory_space<hbm>>
      %dma_start3A_47 = tpu.memref_squeeze %dma_start3A : memref<1x1x256xf32, #tpu.memory_space<hbm>> -> memref<256xf32, #tpu.memory_space<hbm>>
      %dma_start3A_48 = tpu.memref_slice %arg3[%run_scoped3A_35, %select_n3A, %mul3A_32] : memref<3x16x512xf32, #tpu.memory_space<hbm>> -> memref<1x1x256xf32, #tpu.memory_space<hbm>>
      %dma_start3A_49 = tpu.memref_squeeze %dma_start3A_48 : memref<1x1x256xf32, #tpu.memory_space<hbm>> -> memref<256xf32, #tpu.memory_space<hbm>>
      tpu.enqueue_dma source(%dma_start3A_49 : memref<256xf32, #tpu.memory_space<hbm>>) target(%arg9 : memref<256xf32, #tpu.memory_space<vmem>>) target_semaphore(%run_scoped3A_46 : memref<!tpu.dma_semaphore, #tpu.memory_space<semaphore_mem>>)
      %dma_wait3A = tpu.memref_slice %arg3[%run_scoped3A_35, %select_n3A, %mul3A_32] : memref<3x16x512xf32, #tpu.memory_space<hbm>> -> memref<1x1x256xf32, #tpu.memory_space<hbm>>
      %dma_wait3A_50 = tpu.memref_squeeze %dma_wait3A : memref<1x1x256xf32, #tpu.memory_space<hbm>> -> memref<256xf32, #tpu.memory_space<hbm>>
      %dma_wait3A_51 = tpu.memref_slice %arg3[%run_scoped3A_35, %select_n3A, %mul3A_32] : memref<3x16x512xf32, #tpu.memory_space<hbm>> -> memref<1x1x256xf32, #tpu.memory_space<hbm>>
      %dma_wait3A_52 = tpu.memref_squeeze %dma_wait3A_51 : memref<1x1x256xf32, #tpu.memory_space<hbm>> -> memref<256xf32, #tpu.memory_space<hbm>>
      tpu.wait_dma2 semaphore(%run_scoped3A_46 : memref<!tpu.dma_semaphore, #tpu.memory_space<semaphore_mem>>) src(%dma_wait3A_52 : memref<256xf32, #tpu.memory_space<hbm>>) dst(%arg9 : memref<256xf32, #tpu.memory_space<vmem>>)
      tpu.yield
    }) : () -> ()
    %run_scoped3A_36 = arith.constant 1 : i32
    "tpu.region"() ({
      %run_scoped3A_46 = tpu.sem_alloc : memref<!tpu.dma_semaphore, #tpu.memory_space<semaphore_mem>>
      %dma_start3A = tpu.memref_slice %arg3[%run_scoped3A_36, %select_n3A, %mul3A_32] : memref<3x16x512xf32, #tpu.memory_space<hbm>> -> memref<1x1x256xf32, #tpu.memory_space<hbm>>
      %dma_start3A_47 = tpu.memref_squeeze %dma_start3A : memref<1x1x256xf32, #tpu.memory_space<hbm>> -> memref<256xf32, #tpu.memory_space<hbm>>
      %dma_start3A_48 = tpu.memref_slice %arg3[%run_scoped3A_36, %select_n3A, %mul3A_32] : memref<3x16x512xf32, #tpu.memory_space<hbm>> -> memref<1x1x256xf32, #tpu.memory_space<hbm>>
      %dma_start3A_49 = tpu.memref_squeeze %dma_start3A_48 : memref<1x1x256xf32, #tpu.memory_space<hbm>> -> memref<256xf32, #tpu.memory_space<hbm>>
      tpu.enqueue_dma source(%dma_start3A_49 : memref<256xf32, #tpu.memory_space<hbm>>) target(%arg10 : memref<256xf32, #tpu.memory_space<vmem>>) target_semaphore(%run_scoped3A_46 : memref<!tpu.dma_semaphore, #tpu.memory_space<semaphore_mem>>)
      %dma_wait3A = tpu.memref_slice %arg3[%run_scoped3A_36, %select_n3A, %mul3A_32] : memref<3x16x512xf32, #tpu.memory_space<hbm>> -> memref<1x1x256xf32, #tpu.memory_space<hbm>>
      %dma_wait3A_50 = tpu.memref_squeeze %dma_wait3A : memref<1x1x256xf32, #tpu.memory_space<hbm>> -> memref<256xf32, #tpu.memory_space<hbm>>
      %dma_wait3A_51 = tpu.memref_slice %arg3[%run_scoped3A_36, %select_n3A, %mul3A_32] : memref<3x16x512xf32, #tpu.memory_space<hbm>> -> memref<1x1x256xf32, #tpu.memory_space<hbm>>
      %dma_wait3A_52 = tpu.memref_squeeze %dma_wait3A_51 : memref<1x1x256xf32, #tpu.memory_space<hbm>> -> memref<256xf32, #tpu.memory_space<hbm>>
      tpu.wait_dma2 semaphore(%run_scoped3A_46 : memref<!tpu.dma_semaphore, #tpu.memory_space<semaphore_mem>>) src(%dma_wait3A_52 : memref<256xf32, #tpu.memory_space<hbm>>) dst(%arg10 : memref<256xf32, #tpu.memory_space<vmem>>)
      tpu.yield
    }) : () -> ()
    %run_scoped3A_37 = arith.constant 2 : i32
    "tpu.region"() ({
      %run_scoped3A_46 = tpu.sem_alloc : memref<!tpu.dma_semaphore, #tpu.memory_space<semaphore_mem>>
      %dma_start3A = tpu.memref_slice %arg3[%run_scoped3A_37, %select_n3A, %mul3A_32] : memref<3x16x512xf32, #tpu.memory_space<hbm>> -> memref<1x1x256xf32, #tpu.memory_space<hbm>>
      %dma_start3A_47 = tpu.memref_squeeze %dma_start3A : memref<1x1x256xf32, #tpu.memory_space<hbm>> -> memref<256xf32, #tpu.memory_space<hbm>>
      %dma_start3A_48 = tpu.memref_slice %arg3[%run_scoped3A_37, %select_n3A, %mul3A_32] : memref<3x16x512xf32, #tpu.memory_space<hbm>> -> memref<1x1x256xf32, #tpu.memory_space<hbm>>
      %dma_start3A_49 = tpu.memref_squeeze %dma_start3A_48 : memref<1x1x256xf32, #tpu.memory_space<hbm>> -> memref<256xf32, #tpu.memory_space<hbm>>
      tpu.enqueue_dma source(%dma_start3A_49 : memref<256xf32, #tpu.memory_space<hbm>>) target(%arg11 : memref<256xf32, #tpu.memory_space<vmem>>) target_semaphore(%run_scoped3A_46 : memref<!tpu.dma_semaphore, #tpu.memory_space<semaphore_mem>>)
      %dma_wait3A = tpu.memref_slice %arg3[%run_scoped3A_37, %select_n3A, %mul3A_32] : memref<3x16x512xf32, #tpu.memory_space<hbm>> -> memref<1x1x256xf32, #tpu.memory_space<hbm>>
      %dma_wait3A_50 = tpu.memref_squeeze %dma_wait3A : memref<1x1x256xf32, #tpu.memory_space<hbm>> -> memref<256xf32, #tpu.memory_space<hbm>>
      %dma_wait3A_51 = tpu.memref_slice %arg3[%run_scoped3A_37, %select_n3A, %mul3A_32] : memref<3x16x512xf32, #tpu.memory_space<hbm>> -> memref<1x1x256xf32, #tpu.memory_space<hbm>>
      %dma_wait3A_52 = tpu.memref_squeeze %dma_wait3A_51 : memref<1x1x256xf32, #tpu.memory_space<hbm>> -> memref<256xf32, #tpu.memory_space<hbm>>
      tpu.wait_dma2 semaphore(%run_scoped3A_46 : memref<!tpu.dma_semaphore, #tpu.memory_space<semaphore_mem>>) src(%dma_wait3A_52 : memref<256xf32, #tpu.memory_space<hbm>>) dst(%arg11 : memref<256xf32, #tpu.memory_space<vmem>>)
      tpu.yield
    }) : () -> ()
    "tpu.region"() ({
      %run_scoped3A_46 = tpu.sem_alloc : memref<!tpu.dma_semaphore, #tpu.memory_space<semaphore_mem>>
      %dma_start3A = arith.constant 0 : i32
      %dma_start3A_47 = tpu.memref_slice %arg4[%select_n3A, %dma_start3A, %mul3A_32] : memref<16x32x512xi32, #tpu.memory_space<hbm>> -> memref<1x32x256xi32, #tpu.memory_space<hbm>>
      %dma_start3A_48 = tpu.memref_squeeze %dma_start3A_47 : memref<1x32x256xi32, #tpu.memory_space<hbm>> -> memref<32x256xi32, #tpu.memory_space<hbm>>
      %dma_start3A_49 = arith.constant 0 : i32
      %dma_start3A_50 = tpu.memref_slice %arg4[%select_n3A, %dma_start3A_49, %mul3A_32] : memref<16x32x512xi32, #tpu.memory_space<hbm>> -> memref<1x32x256xi32, #tpu.memory_space<hbm>>
      %dma_start3A_51 = tpu.memref_squeeze %dma_start3A_50 : memref<1x32x256xi32, #tpu.memory_space<hbm>> -> memref<32x256xi32, #tpu.memory_space<hbm>>
      tpu.enqueue_dma source(%dma_start3A_51 : memref<32x256xi32, #tpu.memory_space<hbm>>) target(%arg12 : memref<32x256xi32, #tpu.memory_space<vmem>>) target_semaphore(%run_scoped3A_46 : memref<!tpu.dma_semaphore, #tpu.memory_space<semaphore_mem>>)
      %dma_wait3A = arith.constant 0 : i32
      %dma_wait3A_52 = tpu.memref_slice %arg4[%select_n3A, %dma_wait3A, %mul3A_32] : memref<16x32x512xi32, #tpu.memory_space<hbm>> -> memref<1x32x256xi32, #tpu.memory_space<hbm>>
      %dma_wait3A_53 = tpu.memref_squeeze %dma_wait3A_52 : memref<1x32x256xi32, #tpu.memory_space<hbm>> -> memref<32x256xi32, #tpu.memory_space<hbm>>
      %dma_wait3A_54 = arith.constant 0 : i32
      %dma_wait3A_55 = tpu.memref_slice %arg4[%select_n3A, %dma_wait3A_54, %mul3A_32] : memref<16x32x512xi32, #tpu.memory_space<hbm>> -> memref<1x32x256xi32, #tpu.memory_space<hbm>>
      %dma_wait3A_56 = tpu.memref_squeeze %dma_wait3A_55 : memref<1x32x256xi32, #tpu.memory_space<hbm>> -> memref<32x256xi32, #tpu.memory_space<hbm>>
      tpu.wait_dma2 semaphore(%run_scoped3A_46 : memref<!tpu.dma_semaphore, #tpu.memory_space<semaphore_mem>>) src(%dma_wait3A_56 : memref<32x256xi32, #tpu.memory_space<hbm>>) dst(%arg12 : memref<32x256xi32, #tpu.memory_space<vmem>>)
      tpu.yield
    }) : () -> ()
    %scan3A = arith.constant 0 : i32
    %scan3A_38 = arith.constant 0 : i32
    %scan3A_39 = arith.constant 512 : i32
    %scan3A_40 = arith.addi %scan3A_38, %scan3A_39 : i32
    %scan3A_41 = arith.constant 1 : i32
    scf.for %scan3A_46 = %scan3A_38 to %scan3A_40 step %scan3A_41  : i32 {
      %and3A_47 = arith.constant 31 : i32
      %and3A_48 = arith.andi %scan3A_46, %and3A_47 : i32
      %shift_right_arithmetic3A = arith.constant 5 : i32
      %shift_right_arithmetic3A_49 = arith.shrsi %scan3A_46, %shift_right_arithmetic3A : i32
      %mul3A_50 = arith.constant 16 : i32
      %mul3A_51 = arith.muli %shift_right_arithmetic3A_49, %mul3A_50 : i32
      %get3A = arith.index_cast %and3A_48 : i32 to index
      %get3A_52 = arith.index_cast %mul3A_51 : i32 to index
      %get3A_53 = tpu.vector_load %arg12[%get3A, %get3A_52] {strides = array<i32>} : memref<32x256xi32, #tpu.memory_space<vmem>>, vector<16xi32>,
      %get3A_54 = arith.index_cast %mul3A_51 : i32 to index
      %get3A_55 = tpu.vector_load %arg9[%get3A_54] {strides = array<i32>} : memref<256xf32, #tpu.memory_space<vmem>>, vector<16xf32>,
      %get3A_56 = arith.index_cast %mul3A_51 : i32 to index
      %get3A_57 = tpu.vector_load %arg10[%get3A_56] {strides = array<i32>} : memref<256xf32, #tpu.memory_space<vmem>>, vector<16xf32>,
      %get3A_58 = arith.index_cast %mul3A_51 : i32 to index
      %get3A_59 = tpu.vector_load %arg11[%get3A_58] {strides = array<i32>} : memref<256xf32, #tpu.memory_space<vmem>>, vector<16xf32>,
      %gather3A = tpu.vector_load_idx %arg6[%get3A_53] : memref<8192xf32, #tpu.memory_space<vmem>>[vector<16xi32>], vector<16xf32>,
      %sub3A_60 = arith.subf %gather3A, %get3A_55 : vector<16xf32>
      %swap3A = arith.index_cast %and3A_48 : i32 to index
      %swap3A_61 = arith.index_cast %mul3A_51 : i32 to index
      %swap3A_62 = tpu.vector_load %arg13[%swap3A, %swap3A_61] {strides = array<i32>} : memref<32x256xf32, #tpu.memory_space<vmem>>, vector<16xf32>,
      tpu.vector_store %arg13[%swap3A, %swap3A_61], %sub3A_60 {strides = array<i32>} : memref<32x256xf32, #tpu.memory_space<vmem>>, vector<16xf32>,
      %gather3A_63 = tpu.vector_load_idx %arg7[%get3A_53] : memref<8192xf32, #tpu.memory_space<vmem>>[vector<16xi32>], vector<16xf32>,
      %sub3A_64 = arith.subf %gather3A_63, %get3A_57 : vector<16xf32>
      %swap3A_65 = arith.index_cast %and3A_48 : i32 to index
      %swap3A_66 = arith.index_cast %mul3A_51 : i32 to index
      %swap3A_67 = tpu.vector_load %arg14[%swap3A_65, %swap3A_66] {strides = array<i32>} : memref<32x256xf32, #tpu.memory_space<vmem>>, vector<16xf32>,
      tpu.vector_store %arg14[%swap3A_65, %swap3A_66], %sub3A_64 {strides = array<i32>} : memref<32x256xf32, #tpu.memory_space<vmem>>, vector<16xf32>,
      %gather3A_68 = tpu.vector_load_idx %arg8[%get3A_53] : memref<8192xf32, #tpu.memory_space<vmem>>[vector<16xi32>], vector<16xf32>,
      %sub3A_69 = arith.subf %gather3A_68, %get3A_59 : vector<16xf32>
      %swap3A_70 = arith.index_cast %and3A_48 : i32 to index
      %swap3A_71 = arith.index_cast %mul3A_51 : i32 to index
      %swap3A_72 = tpu.vector_load %arg15[%swap3A_70, %swap3A_71] {strides = array<i32>} : memref<32x256xf32, #tpu.memory_space<vmem>>, vector<16xf32>,
      tpu.vector_store %arg15[%swap3A_70, %swap3A_71], %sub3A_69 {strides = array<i32>} : memref<32x256xf32, #tpu.memory_space<vmem>>, vector<16xf32>,
    }
    %scan3A_42 = arith.constant 512 : i32
    %run_scoped3A_43 = arith.constant 0 : i32
    "tpu.region"() ({
      %run_scoped3A_46 = tpu.sem_alloc : memref<!tpu.dma_semaphore, #tpu.memory_space<semaphore_mem>>
      %dma_start3A = arith.constant 0 : i32
      %dma_start3A_47 = tpu.memref_slice %arg5[%run_scoped3A_43, %select_n3A, %dma_start3A, %mul3A_32] : memref<3x16x32x512xf32, #tpu.memory_space<hbm>> -> memref<1x1x32x256xf32, #tpu.memory_space<hbm>>
      %dma_start3A_48 = tpu.memref_squeeze %dma_start3A_47 : memref<1x1x32x256xf32, #tpu.memory_space<hbm>> -> memref<32x256xf32, #tpu.memory_space<hbm>>
      %dma_start3A_49 = arith.constant 0 : i32
      %dma_start3A_50 = tpu.memref_slice %arg5[%run_scoped3A_43, %select_n3A, %dma_start3A_49, %mul3A_32] : memref<3x16x32x512xf32, #tpu.memory_space<hbm>> -> memref<1x1x32x256xf32, #tpu.memory_space<hbm>>
      %dma_start3A_51 = tpu.memref_squeeze %dma_start3A_50 : memref<1x1x32x256xf32, #tpu.memory_space<hbm>> -> memref<32x256xf32, #tpu.memory_space<hbm>>
      tpu.enqueue_dma source(%arg13 : memref<32x256xf32, #tpu.memory_space<vmem>>) target(%dma_start3A_51 : memref<32x256xf32, #tpu.memory_space<hbm>>) target_semaphore(%run_scoped3A_46 : memref<!tpu.dma_semaphore, #tpu.memory_space<semaphore_mem>>)
      %dma_wait3A = arith.constant 0 : i32
      %dma_wait3A_52 = tpu.memref_slice %arg5[%run_scoped3A_43, %select_n3A, %dma_wait3A, %mul3A_32] : memref<3x16x32x512xf32, #tpu.memory_space<hbm>> -> memref<1x1x32x256xf32, #tpu.memory_space<hbm>>
      %dma_wait3A_53 = tpu.memref_squeeze %dma_wait3A_52 : memref<1x1x32x256xf32, #tpu.memory_space<hbm>> -> memref<32x256xf32, #tpu.memory_space<hbm>>
      %dma_wait3A_54 = arith.constant 0 : i32
      %dma_wait3A_55 = tpu.memref_slice %arg5[%run_scoped3A_43, %select_n3A, %dma_wait3A_54, %mul3A_32] : memref<3x16x32x512xf32, #tpu.memory_space<hbm>> -> memref<1x1x32x256xf32, #tpu.memory_space<hbm>>
      %dma_wait3A_56 = tpu.memref_squeeze %dma_wait3A_55 : memref<1x1x32x256xf32, #tpu.memory_space<hbm>> -> memref<32x256xf32, #tpu.memory_space<hbm>>
      tpu.wait_dma2 semaphore(%run_scoped3A_46 : memref<!tpu.dma_semaphore, #tpu.memory_space<semaphore_mem>>) src(%arg13 : memref<32x256xf32, #tpu.memory_space<vmem>>) dst(%dma_wait3A_56 : memref<32x256xf32, #tpu.memory_space<hbm>>)
      tpu.yield
    }) : () -> ()
    %run_scoped3A_44 = arith.constant 1 : i32
    "tpu.region"() ({
      %run_scoped3A_46 = tpu.sem_alloc : memref<!tpu.dma_semaphore, #tpu.memory_space<semaphore_mem>>
      %dma_start3A = arith.constant 0 : i32
      %dma_start3A_47 = tpu.memref_slice %arg5[%run_scoped3A_44, %select_n3A, %dma_start3A, %mul3A_32] : memref<3x16x32x512xf32, #tpu.memory_space<hbm>> -> memref<1x1x32x256xf32, #tpu.memory_space<hbm>>
      %dma_start3A_48 = tpu.memref_squeeze %dma_start3A_47 : memref<1x1x32x256xf32, #tpu.memory_space<hbm>> -> memref<32x256xf32, #tpu.memory_space<hbm>>
      %dma_start3A_49 = arith.constant 0 : i32
      %dma_start3A_50 = tpu.memref_slice %arg5[%run_scoped3A_44, %select_n3A, %dma_start3A_49, %mul3A_32] : memref<3x16x32x512xf32, #tpu.memory_space<hbm>> -> memref<1x1x32x256xf32, #tpu.memory_space<hbm>>
      %dma_start3A_51 = tpu.memref_squeeze %dma_start3A_50 : memref<1x1x32x256xf32, #tpu.memory_space<hbm>> -> memref<32x256xf32, #tpu.memory_space<hbm>>
      tpu.enqueue_dma source(%arg14 : memref<32x256xf32, #tpu.memory_space<vmem>>) target(%dma_start3A_51 : memref<32x256xf32, #tpu.memory_space<hbm>>) target_semaphore(%run_scoped3A_46 : memref<!tpu.dma_semaphore, #tpu.memory_space<semaphore_mem>>)
      %dma_wait3A = arith.constant 0 : i32
      %dma_wait3A_52 = tpu.memref_slice %arg5[%run_scoped3A_44, %select_n3A, %dma_wait3A, %mul3A_32] : memref<3x16x32x512xf32, #tpu.memory_space<hbm>> -> memref<1x1x32x256xf32, #tpu.memory_space<hbm>>
      %dma_wait3A_53 = tpu.memref_squeeze %dma_wait3A_52 : memref<1x1x32x256xf32, #tpu.memory_space<hbm>> -> memref<32x256xf32, #tpu.memory_space<hbm>>
      %dma_wait3A_54 = arith.constant 0 : i32
      %dma_wait3A_55 = tpu.memref_slice %arg5[%run_scoped3A_44, %select_n3A, %dma_wait3A_54, %mul3A_32] : memref<3x16x32x512xf32, #tpu.memory_space<hbm>> -> memref<1x1x32x256xf32, #tpu.memory_space<hbm>>
      %dma_wait3A_56 = tpu.memref_squeeze %dma_wait3A_55 : memref<1x1x32x256xf32, #tpu.memory_space<hbm>> -> memref<32x256xf32, #tpu.memory_space<hbm>>
      tpu.wait_dma2 semaphore(%run_scoped3A_46 : memref<!tpu.dma_semaphore, #tpu.memory_space<semaphore_mem>>) src(%arg14 : memref<32x256xf32, #tpu.memory_space<vmem>>) dst(%dma_wait3A_56 : memref<32x256xf32, #tpu.memory_space<hbm>>)
      tpu.yield
    }) : () -> ()
    %run_scoped3A_45 = arith.constant 2 : i32
    "tpu.region"() ({
      %run_scoped3A_46 = tpu.sem_alloc : memref<!tpu.dma_semaphore, #tpu.memory_space<semaphore_mem>>
      %dma_start3A = arith.constant 0 : i32
      %dma_start3A_47 = tpu.memref_slice %arg5[%run_scoped3A_45, %select_n3A, %dma_start3A, %mul3A_32] : memref<3x16x32x512xf32, #tpu.memory_space<hbm>> -> memref<1x1x32x256xf32, #tpu.memory_space<hbm>>
      %dma_start3A_48 = tpu.memref_squeeze %dma_start3A_47 : memref<1x1x32x256xf32, #tpu.memory_space<hbm>> -> memref<32x256xf32, #tpu.memory_space<hbm>>
      %dma_start3A_49 = arith.constant 0 : i32
      %dma_start3A_50 = tpu.memref_slice %arg5[%run_scoped3A_45, %select_n3A, %dma_start3A_49, %mul3A_32] : memref<3x16x32x512xf32, #tpu.memory_space<hbm>> -> memref<1x1x32x256xf32, #tpu.memory_space<hbm>>
      %dma_start3A_51 = tpu.memref_squeeze %dma_start3A_50 : memref<1x1x32x256xf32, #tpu.memory_space<hbm>> -> memref<32x256xf32, #tpu.memory_space<hbm>>
      tpu.enqueue_dma source(%arg15 : memref<32x256xf32, #tpu.memory_space<vmem>>) target(%dma_start3A_51 : memref<32x256xf32, #tpu.memory_space<hbm>>) target_semaphore(%run_scoped3A_46 : memref<!tpu.dma_semaphore, #tpu.memory_space<semaphore_mem>>)
      %dma_wait3A = arith.constant 0 : i32
      %dma_wait3A_52 = tpu.memref_slice %arg5[%run_scoped3A_45, %select_n3A, %dma_wait3A, %mul3A_32] : memref<3x16x32x512xf32, #tpu.memory_space<hbm>> -> memref<1x1x32x256xf32, #tpu.memory_space<hbm>>
      %dma_wait3A_53 = tpu.memref_squeeze %dma_wait3A_52 : memref<1x1x32x256xf32, #tpu.memory_space<hbm>> -> memref<32x256xf32, #tpu.memory_space<hbm>>
      %dma_wait3A_54 = arith.constant 0 : i32
      %dma_wait3A_55 = tpu.memref_slice %arg5[%run_scoped3A_45, %select_n3A, %dma_wait3A_54, %mul3A_32] : memref<3x16x32x512xf32, #tpu.memory_space<hbm>> -> memref<1x1x32x256xf32, #tpu.memory_space<hbm>>
      %dma_wait3A_56 = tpu.memref_squeeze %dma_wait3A_55 : memref<1x1x32x256xf32, #tpu.memory_space<hbm>> -> memref<32x256xf32, #tpu.memory_space<hbm>>
      tpu.wait_dma2 semaphore(%run_scoped3A_46 : memref<!tpu.dma_semaphore, #tpu.memory_space<semaphore_mem>>) src(%arg15 : memref<32x256xf32, #tpu.memory_space<vmem>>) dst(%dma_wait3A_56 : memref<32x256xf32, #tpu.memory_space<hbm>>)
      tpu.yield
    }) : () -> ()
    return
  }
}

module attributes {stable_mosaic.version = 14 : i64} {
  func.func @_fps_body(%arg0: memref<16x8192xf32, #tpu.memory_space<vmem>>, %arg1: memref<16x8192xf32, #tpu.memory_space<vmem>>, %arg2: memref<16x8192xf32, #tpu.memory_space<vmem>>, %arg3: memref<16x512xf32, #tpu.memory_space<vmem>>, %arg4: memref<16x512xf32, #tpu.memory_space<vmem>>, %arg5: memref<16x512xf32, #tpu.memory_space<vmem>>, %arg6: memref<16x8192xf32, #tpu.memory_space<vmem>>) attributes {dimension_semantics = [], scalar_prefetch = 0 : i64, scratch_operands = 1 : i64, tpu.core_type = #tpu.core_type<tc>} {
    %iota3A = tpu.iota {dimensions = array<i32: 1>} : vector<16x8192xi32>
    %iota3A_0 = tpu.iota {dimensions = array<i32: 1>} : vector<16x512xi32>
    %broadcast_in_dim3A = arith.constant 1.000000e+10 : f32
    %broadcast_in_dim3A_1 = vector.broadcast %broadcast_in_dim3A : f32 to vector<16x8192xf32>
    %swap3A = arith.constant 0 : index
    %swap3A_2 = arith.constant 0 : index
    %swap3A_3 = vector.load %arg6[%swap3A, %swap3A_2] : memref<16x8192xf32, #tpu.memory_space<vmem>>, vector<16x8192xf32>
    tpu.vector_store %arg6[%swap3A, %swap3A_2], %broadcast_in_dim3A_1 {strides = array<i32>} : memref<16x8192xf32, #tpu.memory_space<vmem>>, vector<16x8192xf32>,
    %broadcast_in_dim3A_4 = arith.constant 0.000000e+00 : f32
    %broadcast_in_dim3A_5 = vector.broadcast %broadcast_in_dim3A_4 : f32 to vector<16x512xf32>
    %broadcast_in_dim3A_6 = arith.constant 0 : i32
    %broadcast_in_dim3A_7 = vector.broadcast %broadcast_in_dim3A_6 : i32 to vector<16x1xi32>
    %scan3A = arith.constant 0 : i32
    %scan3A_8 = arith.constant 512 : i32
    %scan3A_9 = arith.addi %scan3A, %scan3A_8 : i32
    %scan3A_10 = arith.constant 1 : i32
    %scan3A_11:4 = scf.for %scan3A_22 = %scan3A to %scan3A_9 step %scan3A_10 iter_args(%scan3A_23 = %broadcast_in_dim3A_7, %scan3A_24 = %broadcast_in_dim3A_5, %scan3A_25 = %broadcast_in_dim3A_5, %scan3A_26 = %broadcast_in_dim3A_5) -> (vector<16x1xi32>, vector<16x512xf32>, vector<16x512xf32>, vector<16x512xf32>)  : i32 {
      %get3A = arith.constant 0 : index
      %get3A_27 = arith.constant 0 : index
      %get3A_28 = vector.load %arg0[%get3A, %get3A_27] : memref<16x8192xf32, #tpu.memory_space<vmem>>, vector<16x8192xf32>
      %get3A_29 = arith.constant 0 : index
      %get3A_30 = arith.constant 0 : index
      %get3A_31 = vector.load %arg1[%get3A_29, %get3A_30] : memref<16x8192xf32, #tpu.memory_space<vmem>>, vector<16x8192xf32>
      %get3A_32 = arith.constant 0 : index
      %get3A_33 = arith.constant 0 : index
      %get3A_34 = vector.load %arg2[%get3A_32, %get3A_33] : memref<16x8192xf32, #tpu.memory_space<vmem>>, vector<16x8192xf32>
      %eq3A = vector.broadcast %scan3A_23 : vector<16x1xi32> to vector<16x8192xi32>
      %eq3A_35 = arith.cmpi eq, %iota3A, %eq3A : vector<16x8192xi32>
      %jit3A = arith.constant 0.000000e+00 : f32
      %broadcast_in_dim3A_36 = vector.broadcast %jit3A : f32 to vector<16x8192xf32>
      %select_n3A = arith.select %eq3A_35, %get3A_28, %broadcast_in_dim3A_36 : vector<16x8192xi1>, vector<16x8192xf32>
      %reduce_sum3A = arith.constant dense<0.000000e+00> : vector<16xf32>
      %reduce_sum3A_37 = vector.multi_reduction <add>, %select_n3A, %reduce_sum3A [1] : vector<16x8192xf32> to vector<16xf32>
      %broadcast_in_dim3A_38 = vector.shape_cast %reduce_sum3A_37 : vector<16xf32> to vector<16x1xf32>
      %jit3A_39 = arith.constant 0.000000e+00 : f32
      %broadcast_in_dim3A_40 = vector.broadcast %jit3A_39 : f32 to vector<16x8192xf32>
      %select_n3A_41 = arith.select %eq3A_35, %get3A_31, %broadcast_in_dim3A_40 : vector<16x8192xi1>, vector<16x8192xf32>
      %reduce_sum3A_42 = arith.constant dense<0.000000e+00> : vector<16xf32>
      %reduce_sum3A_43 = vector.multi_reduction <add>, %select_n3A_41, %reduce_sum3A_42 [1] : vector<16x8192xf32> to vector<16xf32>
      %broadcast_in_dim3A_44 = vector.shape_cast %reduce_sum3A_43 : vector<16xf32> to vector<16x1xf32>
      %jit3A_45 = arith.constant 0.000000e+00 : f32
      %broadcast_in_dim3A_46 = vector.broadcast %jit3A_45 : f32 to vector<16x8192xf32>
      %select_n3A_47 = arith.select %eq3A_35, %get3A_34, %broadcast_in_dim3A_46 : vector<16x8192xi1>, vector<16x8192xf32>
      %reduce_sum3A_48 = arith.constant dense<0.000000e+00> : vector<16xf32>
      %reduce_sum3A_49 = vector.multi_reduction <add>, %select_n3A_47, %reduce_sum3A_48 [1] : vector<16x8192xf32> to vector<16xf32>
      %broadcast_in_dim3A_50 = vector.shape_cast %reduce_sum3A_49 : vector<16xf32> to vector<16x1xf32>
      %eq3A_51 = vector.broadcast %scan3A_22 : i32 to vector<16x512xi32>
      %eq3A_52 = arith.cmpi eq, %iota3A_0, %eq3A_51 : vector<16x512xi32>
      %broadcast_in_dim3A_53 = vector.shape_cast %broadcast_in_dim3A_38 : vector<16x1xf32> to vector<16x1xf32>
      %broadcast_in_dim3A_54 = vector.broadcast %broadcast_in_dim3A_53 : vector<16x1xf32> to vector<16x512xf32>
      %select_n3A_55 = arith.select %eq3A_52, %broadcast_in_dim3A_54, %scan3A_24 : vector<16x512xi1>, vector<16x512xf32>
      %broadcast_in_dim3A_56 = vector.shape_cast %broadcast_in_dim3A_44 : vector<16x1xf32> to vector<16x1xf32>
      %broadcast_in_dim3A_57 = vector.broadcast %broadcast_in_dim3A_56 : vector<16x1xf32> to vector<16x512xf32>
      %select_n3A_58 = arith.select %eq3A_52, %broadcast_in_dim3A_57, %scan3A_25 : vector<16x512xi1>, vector<16x512xf32>
      %broadcast_in_dim3A_59 = vector.shape_cast %broadcast_in_dim3A_50 : vector<16x1xf32> to vector<16x1xf32>
      %broadcast_in_dim3A_60 = vector.broadcast %broadcast_in_dim3A_59 : vector<16x1xf32> to vector<16x512xf32>
      %select_n3A_61 = arith.select %eq3A_52, %broadcast_in_dim3A_60, %scan3A_26 : vector<16x512xi1>, vector<16x512xf32>
      %sub3A = vector.broadcast %broadcast_in_dim3A_38 : vector<16x1xf32> to vector<16x8192xf32>
      %sub3A_62 = arith.subf %get3A_28, %sub3A : vector<16x8192xf32>
      %integer_pow3A = arith.mulf %sub3A_62, %sub3A_62 : vector<16x8192xf32>
      %sub3A_63 = vector.broadcast %broadcast_in_dim3A_44 : vector<16x1xf32> to vector<16x8192xf32>
      %sub3A_64 = arith.subf %get3A_31, %sub3A_63 : vector<16x8192xf32>
      %integer_pow3A_65 = arith.mulf %sub3A_64, %sub3A_64 : vector<16x8192xf32>
      %add3A = arith.addf %integer_pow3A, %integer_pow3A_65 : vector<16x8192xf32>
      %sub3A_66 = vector.broadcast %broadcast_in_dim3A_50 : vector<16x1xf32> to vector<16x8192xf32>
      %sub3A_67 = arith.subf %get3A_34, %sub3A_66 : vector<16x8192xf32>
      %integer_pow3A_68 = arith.mulf %sub3A_67, %sub3A_67 : vector<16x8192xf32>
      %add3A_69 = arith.addf %add3A, %integer_pow3A_68 : vector<16x8192xf32>
      %get3A_70 = arith.constant 0 : index
      %get3A_71 = arith.constant 0 : index
      %get3A_72 = vector.load %arg6[%get3A_70, %get3A_71] : memref<16x8192xf32, #tpu.memory_space<vmem>>, vector<16x8192xf32>
      %min3A = arith.minimumf %get3A_72, %add3A_69 : vector<16x8192xf32>
      %swap3A_73 = arith.constant 0 : index
      %swap3A_74 = arith.constant 0 : index
      %swap3A_75 = vector.load %arg6[%swap3A_73, %swap3A_74] : memref<16x8192xf32, #tpu.memory_space<vmem>>, vector<16x8192xf32>
      tpu.vector_store %arg6[%swap3A_73, %swap3A_74], %min3A {strides = array<i32>} : memref<16x8192xf32, #tpu.memory_space<vmem>>, vector<16x8192xf32>,
      %reduce_max3A = arith.constant dense<0xFF800000> : vector<16xf32>
      %reduce_max3A_76 = vector.multi_reduction <maximumf>, %min3A, %reduce_max3A [1] : vector<16x8192xf32> to vector<16xf32>
      %broadcast_in_dim3A_77 = vector.shape_cast %reduce_max3A_76 : vector<16xf32> to vector<16x1xf32>
      %eq3A_78 = vector.broadcast %broadcast_in_dim3A_77 : vector<16x1xf32> to vector<16x8192xf32>
      %eq3A_79 = arith.cmpf oeq, %min3A, %eq3A_78 : vector<16x8192xf32>
      %jit3A_80 = arith.constant 8192 : i32
      %broadcast_in_dim3A_81 = vector.broadcast %jit3A_80 : i32 to vector<16x8192xi32>
      %select_n3A_82 = arith.select %eq3A_79, %iota3A, %broadcast_in_dim3A_81 : vector<16x8192xi1>, vector<16x8192xi32>
      %reduce_min3A = arith.constant dense<2147483647> : vector<16xi32>
      %reduce_min3A_83 = vector.multi_reduction <minsi>, %select_n3A_82, %reduce_min3A [1] : vector<16x8192xi32> to vector<16xi32>
      %broadcast_in_dim3A_84 = vector.shape_cast %reduce_min3A_83 : vector<16xi32> to vector<16x1xi32>
      scf.yield %broadcast_in_dim3A_84, %select_n3A_55, %select_n3A_58, %select_n3A_61 : vector<16x1xi32>, vector<16x512xf32>, vector<16x512xf32>, vector<16x512xf32>
    }
    %scan3A_12 = arith.constant 512 : i32
    %swap3A_13 = arith.constant 0 : index
    %swap3A_14 = arith.constant 0 : index
    %swap3A_15 = vector.load %arg3[%swap3A_13, %swap3A_14] : memref<16x512xf32, #tpu.memory_space<vmem>>, vector<16x512xf32>
    tpu.vector_store %arg3[%swap3A_13, %swap3A_14], %scan3A_11#1 {strides = array<i32>} : memref<16x512xf32, #tpu.memory_space<vmem>>, vector<16x512xf32>,
    %swap3A_16 = arith.constant 0 : index
    %swap3A_17 = arith.constant 0 : index
    %swap3A_18 = vector.load %arg4[%swap3A_16, %swap3A_17] : memref<16x512xf32, #tpu.memory_space<vmem>>, vector<16x512xf32>
    tpu.vector_store %arg4[%swap3A_16, %swap3A_17], %scan3A_11#2 {strides = array<i32>} : memref<16x512xf32, #tpu.memory_space<vmem>>, vector<16x512xf32>,
    %swap3A_19 = arith.constant 0 : index
    %swap3A_20 = arith.constant 0 : index
    %swap3A_21 = vector.load %arg5[%swap3A_19, %swap3A_20] : memref<16x512xf32, #tpu.memory_space<vmem>>, vector<16x512xf32>
    tpu.vector_store %arg5[%swap3A_19, %swap3A_20], %scan3A_11#3 {strides = array<i32>} : memref<16x512xf32, #tpu.memory_space<vmem>>, vector<16x512xf32>,
    return
  }
}

module attributes {stable_mosaic.version = 14 : i64} {
  func.func @_knn_body(%arg0: i32, %arg1: i32, %arg2: memref<1x8192x3xf32, #tpu.memory_space<vmem>>, %arg3: memref<1x256x3xf32, #tpu.memory_space<vmem>>, %arg4: memref<256x1xf32, #tpu.memory_space<vmem>>, %arg5: memref<1x1x8192xf32, #tpu.memory_space<vmem>>, %arg6: memref<1x32x256xi32, #tpu.memory_space<vmem>>, %arg7: memref<256x8192xf32, #tpu.memory_space<vmem>>, %arg8: memref<32x256x1xi32, #tpu.memory_space<vmem>>) attributes {dimension_semantics = [#tpu.dimension_semantics<arbitrary>, #tpu.dimension_semantics<arbitrary>], iteration_bounds = array<i64: 16, 2>, scalar_prefetch = 0 : i64, scratch_operands = 2 : i64, tpu.core_type = #tpu.core_type<tc>, window_params = [{transform_indices = @transform_0, window_bounds = array<i64: 1, 8192, 3>}, {transform_indices = @transform_1, window_bounds = array<i64: 1, 256, 3>}, {transform_indices = @transform_2, window_bounds = array<i64: 256, 1>}, {transform_indices = @transform_3, window_bounds = array<i64: 1, 1, 8192>}, {transform_indices = @transform_4, window_bounds = array<i64: 1, 32, 256>}]} {
    %get3A = arith.constant 0 : index
    %get3A_0 = arith.constant 0 : index
    %get3A_1 = arith.constant 0 : index
    %get3A_2 = vector.load %arg3[%get3A, %get3A_0, %get3A_1] : memref<1x256x3xf32, #tpu.memory_space<vmem>>, vector<1x256x3xf32>
    %get3A_3 = vector.shape_cast %get3A_2 : vector<1x256x3xf32> to vector<256x3xf32>
    %get3A_4 = arith.constant 0 : index
    %get3A_5 = arith.constant 0 : index
    %get3A_6 = arith.constant 0 : index
    %get3A_7 = vector.load %arg2[%get3A_4, %get3A_5, %get3A_6] : memref<1x8192x3xf32, #tpu.memory_space<vmem>>, vector<1x8192x3xf32>
    %get3A_8 = vector.shape_cast %get3A_7 : vector<1x8192x3xf32> to vector<8192x3xf32>
    %dot_general3A = arith.constant dense<0.000000e+00> : vector<256x8192xf32>
    %dot_general3A_9 = tpu.matmul %get3A_3, %get3A_8, %dot_general3A {dimension_numbers = #tpu.dot_dimension_numbers<[1], [1], [0], [0], [0, 0, 1, 0], [], []>, transpose_lhs_hint = false} : vector<256x3xf32>, vector<8192x3xf32>, vector<256x8192xf32> -> vector<256x8192xf32>
    %get3A_10 = arith.constant 0 : index
    %get3A_11 = arith.constant 0 : index
    %get3A_12 = vector.load %arg4[%get3A_10, %get3A_11] : memref<256x1xf32, #tpu.memory_space<vmem>>, vector<256x1xf32>
    %get3A_13 = arith.constant 0 : index
    %get3A_14 = arith.constant 0 : index
    %get3A_15 = arith.constant 0 : index
    %get3A_16 = vector.load %arg5[%get3A_13, %get3A_14, %get3A_15] : memref<1x1x8192xf32, #tpu.memory_space<vmem>>, vector<1x1x8192xf32>
    %get3A_17 = vector.shape_cast %get3A_16 : vector<1x1x8192xf32> to vector<1x8192xf32>
    %add3A = vector.broadcast %get3A_12 : vector<256x1xf32> to vector<256x8192xf32>
    %add3A_18 = vector.broadcast %get3A_17 : vector<1x8192xf32> to vector<256x8192xf32>
    %add3A_19 = arith.addf %add3A, %add3A_18 : vector<256x8192xf32>
    %mul3A = arith.constant 2.000000e+00 : f32
    %mul3A_20 = vector.broadcast %mul3A : f32 to vector<256x8192xf32>
    %mul3A_21 = arith.mulf %mul3A_20, %dot_general3A_9 : vector<256x8192xf32>
    %sub3A = arith.subf %add3A_19, %mul3A_21 : vector<256x8192xf32>
    %max3A = arith.constant 0.000000e+00 : f32
    %max3A_22 = vector.broadcast %max3A : f32 to vector<256x8192xf32>
    %max3A_23 = arith.maximumf %sub3A, %max3A_22 : vector<256x8192xf32>
    %sqrt3A = math.sqrt %max3A_23 : vector<256x8192xf32>
    %swap3A = arith.constant 0 : index
    %swap3A_24 = arith.constant 0 : index
    %swap3A_25 = vector.load %arg7[%swap3A, %swap3A_24] : memref<256x8192xf32, #tpu.memory_space<vmem>>, vector<256x8192xf32>
    tpu.vector_store %arg7[%swap3A, %swap3A_24], %sqrt3A {strides = array<i32>} : memref<256x8192xf32, #tpu.memory_space<vmem>>, vector<256x8192xf32>,
    %iota3A = tpu.iota {dimensions = array<i32: 1>} : vector<1x8192xi32>
    %scan3A = arith.constant 0 : i32
    %scan3A_26 = arith.constant 32 : i32
    %scan3A_27 = arith.addi %scan3A, %scan3A_26 : i32
    %scan3A_28 = arith.constant 1 : i32
    scf.for %scan3A_41 = %scan3A to %scan3A_27 step %scan3A_28  : i32 {
      %get3A_42 = arith.constant 0 : index
      %get3A_43 = arith.constant 0 : index
      %get3A_44 = vector.load %arg7[%get3A_42, %get3A_43] : memref<256x8192xf32, #tpu.memory_space<vmem>>, vector<256x8192xf32>
      %reduce_min3A = arith.constant dense<0x7F800000> : vector<256xf32>
      %reduce_min3A_45 = vector.multi_reduction <minimumf>, %get3A_44, %reduce_min3A [1] : vector<256x8192xf32> to vector<256xf32>
      %broadcast_in_dim3A = vector.shape_cast %reduce_min3A_45 : vector<256xf32> to vector<256x1xf32>
      %eq3A = vector.broadcast %broadcast_in_dim3A : vector<256x1xf32> to vector<256x8192xf32>
      %eq3A_46 = arith.cmpf oeq, %get3A_44, %eq3A : vector<256x8192xf32>
      %jit3A = arith.constant 8192 : i32
      %broadcast_in_dim3A_47 = vector.shape_cast %iota3A : vector<1x8192xi32> to vector<1x8192xi32>
      %broadcast_in_dim3A_48 = vector.broadcast %broadcast_in_dim3A_47 : vector<1x8192xi32> to vector<256x8192xi32>
      %broadcast_in_dim3A_49 = vector.broadcast %jit3A : i32 to vector<256x8192xi32>
      %select_n3A = arith.select %eq3A_46, %broadcast_in_dim3A_48, %broadcast_in_dim3A_49 : vector<256x8192xi1>, vector<256x8192xi32>
      %reduce_min3A_50 = arith.constant dense<2147483647> : vector<256xi32>
      %reduce_min3A_51 = vector.multi_reduction <minsi>, %select_n3A, %reduce_min3A_50 [1] : vector<256x8192xi32> to vector<256xi32>
      %broadcast_in_dim3A_52 = vector.shape_cast %reduce_min3A_51 : vector<256xi32> to vector<256x1xi32>
      %broadcast_in_dim3A_53 = vector.shape_cast %broadcast_in_dim3A_52 : vector<256x1xi32> to vector<1x256x1xi32>
      %swap3A_54 = arith.index_cast %scan3A_41 : i32 to index
      %swap3A_55 = arith.constant 0 : index
      %swap3A_56 = arith.constant 0 : index
      %swap3A_57 = vector.load %arg8[%swap3A_54, %swap3A_55, %swap3A_56] : memref<32x256x1xi32, #tpu.memory_space<vmem>>, vector<1x256x1xi32>
      tpu.vector_store %arg8[%swap3A_54, %swap3A_55, %swap3A_56], %broadcast_in_dim3A_53 {strides = array<i32>} : memref<32x256x1xi32, #tpu.memory_space<vmem>>, vector<1x256x1xi32>,
      %eq3A_58 = vector.broadcast %iota3A : vector<1x8192xi32> to vector<256x8192xi32>
      %eq3A_59 = vector.broadcast %broadcast_in_dim3A_52 : vector<256x1xi32> to vector<256x8192xi32>
      %eq3A_60 = arith.cmpi eq, %eq3A_58, %eq3A_59 : vector<256x8192xi32>
      %jit3A_61 = arith.constant 3.000000e+38 : f32
      %broadcast_in_dim3A_62 = vector.broadcast %jit3A_61 : f32 to vector<256x8192xf32>
      %select_n3A_63 = arith.select %eq3A_60, %broadcast_in_dim3A_62, %get3A_44 : vector<256x8192xi1>, vector<256x8192xf32>
      %swap3A_64 = arith.constant 0 : index
      %swap3A_65 = arith.constant 0 : index
      %swap3A_66 = vector.load %arg7[%swap3A_64, %swap3A_65] : memref<256x8192xf32, #tpu.memory_space<vmem>>, vector<256x8192xf32>
      tpu.vector_store %arg7[%swap3A_64, %swap3A_65], %select_n3A_63 {strides = array<i32>} : memref<256x8192xf32, #tpu.memory_space<vmem>>, vector<256x8192xf32>,
    }
    %scan3A_29 = arith.constant 32 : i32
    %get3A_30 = arith.constant 0 : index
    %get3A_31 = arith.constant 0 : index
    %get3A_32 = arith.constant 0 : index
    %get3A_33 = vector.load %arg8[%get3A_30, %get3A_31, %get3A_32] : memref<32x256x1xi32, #tpu.memory_space<vmem>>, vector<32x256x1xi32>
    %get3A_34 = vector.shape_cast %get3A_33 : vector<32x256x1xi32> to vector<32x256xi32>
    %swap3A_35 = arith.constant 0 : index
    %swap3A_36 = arith.constant 0 : index
    %swap3A_37 = arith.constant 0 : index
    %swap3A_38 = vector.load %arg6[%swap3A_35, %swap3A_36, %swap3A_37] : memref<1x32x256xi32, #tpu.memory_space<vmem>>, vector<1x32x256xi32>
    %swap3A_39 = vector.shape_cast %swap3A_38 : vector<1x32x256xi32> to vector<32x256xi32>
    %swap3A_40 = vector.shape_cast %get3A_34 : vector<32x256xi32> to vector<1x32x256xi32>
    tpu.vector_store %arg6[%swap3A_35, %swap3A_36, %swap3A_37], %swap3A_40 {strides = array<i32>} : memref<1x32x256xi32, #tpu.memory_space<vmem>>, vector<1x32x256xi32>,
    return
  }
  func.func @transform_0(%arg0: i32, %arg1: i32) -> (i32, i32, i32) {
    %c0_i32 = arith.constant 0 : i32
    %c0_i32_0 = arith.constant 0 : i32
    %c0_i32_1 = arith.constant 0 : i32
    return %arg0, %c0_i32, %c0_i32_0 : i32, i32, i32
  }
  func.func @transform_1(%arg0: i32, %arg1: i32) -> (i32, i32, i32) {
    %c0_i32 = arith.constant 0 : i32
    %c0_i32_0 = arith.constant 0 : i32
    return %arg0, %arg1, %c0_i32 : i32, i32, i32
  }
  func.func @transform_2(%arg0: i32, %arg1: i32) -> (i32, i32) {
    %mul3A = arith.constant 2 : i32
    %mul3A_0 = arith.muli %arg0, %mul3A : i32
    %add3A = arith.addi %mul3A_0, %arg1 : i32
    %c0_i32 = arith.constant 0 : i32
    %c0_i32_1 = arith.constant 0 : i32
    return %add3A, %c0_i32 : i32, i32
  }
  func.func @transform_3(%arg0: i32, %arg1: i32) -> (i32, i32, i32) {
    %c0_i32 = arith.constant 0 : i32
    %c0_i32_0 = arith.constant 0 : i32
    %c0_i32_1 = arith.constant 0 : i32
    return %arg0, %c0_i32, %c0_i32_0 : i32, i32, i32
  }
  func.func @transform_4(%arg0: i32, %arg1: i32) -> (i32, i32, i32) {
    %c0_i32 = arith.constant 0 : i32
    %c0_i32_0 = arith.constant 0 : i32
    return %arg0, %c0_i32, %arg1 : i32, i32, i32
  }
}

</mosaic_0001>

<sc_bundles>
// kernel: kernel.5.cloned.1.call-start
scs
__scs_entry_jumppad:
0x0: {  	(pc) =	sbr.rel $0x88, $3  }
0x1: {  	(tag) =	ssettag $0x0;
	lr =	simm.s32 $0x1  }
0x2: {  	[smem:$0x3FA0] =	sst lr;
	_ =	strace $0xD0000000  }
0x3: {  	_ = 	snop  }
0x4: {  	_ = 	snop  }
0x5: {  	_ = 	snop  }
0x6: {  	_ = 	snop  }
0x7: {  	_ = 	snop  }
__scs_overlays_trampoline_lowered:
0x8: {  	[smem:$0x3FAF] =	sst s0  }
0x9: {  	[smem:$0x3FB0] =	sst s1  }
0xa: {  	[smem:$0x3FB1] =	sst s2  }
0xb: {  	[smem:$0x3FB2] =	sst s3  }
0xc: {  	[smem:$0x3FB3] =	sst s4  }
0xd: {  	[smem:$0x3FB4] =	sst s5  }
0xe: {  	[smem:$0x3FB5] =	sst s6  }
0xf: {  	[smem:$0x3FB6] =	sst s7  }
0x10: {  	[smem:$0x3FB7] =	sst s8  }
0x11: {  	[smem:$0x3FB8] =	sst s9;
	s0 =	simm.s32 @!p0 $0x0  }
0x12: {  	s1 =	sld [smem:$0x3F9E];
	s0 =	simm.s32 @p0 $0x1  }
0x13: {  	[smem:$0x3FB9] =	sst s0;
	s0 =	simm.s32 @!p1 $0x0  }
0x14: {  	s2 =	sld [smem:$0x3F9D];
	s0 =	simm.s32 @p1 $0x1  }
0x15: {  	[smem:$0x3FBA] =	sst s0;
	s0 =	simm.s32 @!p2 $0x0  }
0x16: {  	s3 =	sld [smem:$0x3FDB];
	s0 =	simm.s32 @p2 $0x1  }
0x17: {  	s4 =	simm.s32 $0x1BF5;
	[smem:$0x3FBC] =	sst s0  }
0x18: {  	s0 =	sld [smem:$0x3F9F];
	_ =	swait.ge [sflag:s4], $0x0  }
0x19: {  	s7 =	sld [smem:$0x3FA0]  }
0x1a: {  	s8 =	sadd.s32 $0xFFFFE003, lr  }
0x1b: {  	s9 =	sadd.s32 $0xFFFFFEF7, lr;
	s5 =	simm.s32 $0xFFFFFFFF;
	p2 =	slt.u32 s8, $0xFFFFF086  }
0x1c: {  	p1 =	slt.u32 s9, $0xF7A;
	s5 =	simm.s32 @!p2 $0x0  }
0x1d: {  	s5 =	simm.s32 @p1 $0x1;
	p0 =	seq.s32 s7, s2  }
0x1e: {  	s7 =	smul.u32 @!p0 $0xF7A, s2;
	p2 =	seq.s32 @!p0 s5, $0x0  }
0x1f: {  	s9 =	smul.u32 $0xF7A, s1;
	s8 =	simm.s32 @!p0 $0x1BF5;
	p2 =	por !p2, p0  }
0x20: {  	[sflag:s8] =	ssyncset.s32 @!p0 $0xFFFFF086;
	s6 =	sadd.s32 @!p0 s3, s7;
	s7 =	simm.s32 @!p0 $0x108  }
0x21: {  	s3 =	sadd.s32 s3, s9;
	s6 =	sadd.s32 @!p0 $0x88, s6;
	s7 =	simm.s32 @p2 $0x1082  }
0x22: {  	[simem:s7], [sflag:s8] =	dma.local @!p0 [hbm:s6], $0xF7A  }
0x23: {  	s9 =	sor.u32 $0xD0000000, s2;
	s6 =	simm.s32 $0x108;
	_ =	swait.ge @!p0 [sflag:s8], $0x0  }
0x24: {  	s3 =	sadd.s32 $0x88, s3;
	s6 =	simm.s32 @!p1 $0x1082;
	[sflag:s4] =	ssyncset.s32 $0xFFFFF086  }
0x25: {  	[simem:s6], [sflag:s4] =	dma.local [hbm:s3], $0xF7A  }
0x26: {  	[smem:$0x3FA0] =	sst s1;
	(tag) =	ssettag s2;
	_ =	strace s9  }
0x27: {  	s1 =	sld [smem:$0x3FB0]  }
0x28: {  	s2 =	sld [smem:$0x3FB1]  }
0x29: {  	s4 =	sld [smem:$0x3FB3]  }
0x2a: {  	p0 =	seq.s32 s5, $0x0;
	s5 =	sld [smem:$0x3FB4]  }
0x2b: {  	s6 =	sld [smem:$0x3FB5]  }
0x2c: {  	s7 =	sld [smem:$0x3FB6]  }
0x2d: {  	s3 =	simm.s32 $0x108;
	s8 =	sld [smem:$0x3FB7]  }
0x2e: {  	s3 =	simm.s32 @!p0 $0x1082;
	s9 =	sld [smem:$0x3FB8]  }
0x2f: {  	lr =	sadd.s32 s0, s3;
	s0 =	sld [smem:$0x3FAF]  }
0x30: {  	s3 =	sld [smem:$0x3FB2]  }
0x31: {  	[smem:$0x3FBB] =	sst s10  }
0x32: {  	s10 =	sld [smem:$0x3FB9];
	_ =	sdelay $0x3  }
0x33: {  	p0 =	seq.s32 s10, $0x1;
	s10 =	sld [smem:$0x3FBB];
	_ =	sdelay $0x3  }
0x34: {  	[smem:$0x3FBB] =	sst s10  }
0x35: {  	s10 =	sld [smem:$0x3FBA];
	_ =	sdelay $0x3  }
0x36: {  	p1 =	seq.s32 s10, $0x1;
	s10 =	sld [smem:$0x3FBB];
	_ =	sdelay $0x3  }
0x37: {  	[smem:$0x3FBB] =	sst s10  }
0x38: {  	s10 =	sld [smem:$0x3FBC]  }
0x39: {  	_ = 	snop;
	(pc) =	sbr.ind lr, $3  }
0x3a: {  	_ = 	snop  }
0x3b: {  	_ = 	snop  }
0x3c: {  	p2 =	seq.s32 s10, $0x1;
	s10 =	sld [smem:$0x3FBB]  }
0x3d: {  	_ =	shalt  }
0x3e: {  	_ =	shalt  }
0x3f: {  	_ =	shalt  }
0x40: {  	_ =	shalt  }
0x41: {  	_ =	shalt  }
0x42: {  	_ =	shalt  }
0x43: {  	_ =	shalt  }
0x44: {  	_ =	shalt  }
0x45: {  	_ =	shalt  }
0x46: {  	_ =	shalt  }
0x47: {  	_ =	shalt  }
0x48: {  	_ =	shalt  }
0x49: {  	_ =	shalt  }
0x4a: {  	_ =	shalt  }
0x4b: {  	_ =	shalt  }
0x4c: {  	_ =	shalt  }
0x4d: {  	_ =	shalt  }
0x4e: {  	_ =	shalt  }
0x4f: {  	_ =	shalt  }
0x50: {  	_ =	shalt  }
0x51: {  	_ =	shalt  }
0x52: {  	_ =	shalt  }
0x53: {  	_ =	shalt  }
0x54: {  	_ =	shalt  }
0x55: {  	_ =	shalt  }
0x56: {  	_ =	shalt  }
0x57: {  	_ =	shalt  }
0x58: {  	_ =	shalt  }
0x59: {  	_ =	shalt  }
0x5a: {  	_ =	shalt  }
0x5b: {  	_ =	shalt  }
0x5c: {  	_ =	shalt  }
0x5d: {  	_ =	shalt  }
0x5e: {  	_ =	shalt  }
0x5f: {  	_ =	shalt  }
0x60: {  	_ =	shalt  }
0x61: {  	_ =	shalt  }
0x62: {  	_ =	shalt  }
0x63: {  	_ =	shalt  }
0x64: {  	_ =	shalt  }
0x65: {  	_ =	shalt  }
0x66: {  	_ =	shalt  }
0x67: {  	_ =	shalt  }
0x68: {  	_ =	shalt  }
0x69: {  	_ =	shalt  }
0x6a: {  	_ =	shalt  }
0x6b: {  	_ =	shalt  }
0x6c: {  	_ =	shalt  }
0x6d: {  	_ =	shalt  }
0x6e: {  	_ =	shalt  }
0x6f: {  	_ =	shalt  }
0x70: {  	_ =	shalt  }
0x71: {  	_ =	shalt  }
0x72: {  	_ =	shalt  }
0x73: {  	_ =	shalt  }
0x74: {  	_ =	shalt  }
0x75: {  	_ =	shalt  }
0x76: {  	_ =	shalt  }
0x77: {  	_ =	shalt  }
0x78: {  	_ =	shalt  }
0x79: {  	_ =	shalt  }
0x7a: {  	_ =	shalt  }
0x7b: {  	_ =	shalt  }
0x7c: {  	_ =	shalt  }
0x7d: {  	_ =	shalt  }
0x7e: {  	_ =	shalt  }
0x7f: {  	_ =	shalt  }
0x80: {  	_ =	shalt  }
0x81: {  	_ =	shalt  }
0x82: {  	_ =	shalt  }
0x83: {  	_ =	shalt  }
0x84: {  	_ =	shalt  }
0x85: {  	_ =	shalt  }
0x86: {  	_ =	shalt  }
0x87: {  	_ =	shalt  }
.Lfunc_end0:
.L_simem_size_0:
called_computation_lowered:
.L_overlay_start_0:
0x88: {  	s2 =	sld [smem:$0x3FD9]  }
0x89: {  	s3 =	sld [smem:$0x3FFE];
	_ =	sdelay $0x1  }
0x8a: {  	s1 =	srdreg.scid  }
0x8b: {  	s0 =	sand.u32 $0x1, s1  }
0x8c: {  	s14 =	sshll.u32 s0, $0xA;
	s2 =	sadd.s32 s3, s2  }
0x8d: {  	s2 =	sadd.s32 s2, s14  }
0x8e: {  	[smem:$0x3FC7] =	sst s2  }
0x8f: {  	_ = 	snop  }
0x90: {  	s2 =	sld [smem:$0x3FD0];
	_ =	sdelay $0x2  }
0x91: {  	s4 =	simm.s32 $0xA;
	s5 =	simm.s32 $0x10;
	s15 =	sld [smem:$0x3FC9]  }
0x92: {  	[smem:s5], [sflag:s4] =	dma.local [hbm:s2], $0x1  }
0x93: {  	_ =	swait.eq [sflag:s4], $0x1  }
0x94: {  	[sflag:s4] =	ssyncset.done $0x0  }
0x95: {  	[sflag:s4] =	ssyncadd.s32 $0xFFFFFFFF  }
0x96: {  	s16 =	sld [smem:$0x10];
	(tm) =	ssettm $0x1  }
0x97: {  	s17 =	sld [smem:$0x3FFB];
	_ =	sdelay $0x3  }
0x98: {  	_ =	strace s17  }
0x99: {  	s4 =	sld [smem:$0x3FFC];
	_ =	sdelay $0x3  }
0x9a: {  	_ =	strace s4  }
0x9b: {  	s4 =	sld [smem:$0x3FFD];
	_ =	sdelay $0x3  }
0x9c: {  	_ =	strace s4  }
0x9d: {  	_ =	strace $0x8FFFFFFF  }
0x9e: {  	s18 =	sld [smem:$0x3FDB];
	_ =	sdelay $0x1  }
0x9f: {  	s19 =	simm.s32 $_scs_section_size  }
0xa0: {  	s6 =	simm.s32 $_size__tile_overlayer_lowered;
	s7 =	simm.s32 $_tile_overlayer_lowered  }
0xa1: {  	s22 =	simm.s32 $0x1BFF;
	s21 =	sshll.u32 s7, $0x1;
	s4 =	sadd.s32 s19, s18  }
0xa2: {  	s8 =	simm.s32 $0x0;
	s20 =	sshll.u32 s6, $0x1;
	s6 =	sadd.s32 s21, s4  }
0xa3: {  	[timem:s8], [sflag:s22] =	dma.local [hbm:s6], s20  }
0xa4: {  	_ =	swait.ge [sflag:s22], s20  }
0xa5: {  	s5 =	ssub.s32 $0x0, s20;
	[sflag:s22] =	ssyncset.done $0x0  }
0xa6: {  	[sflag:s22] =	ssyncadd.s32 s5;
	_ =	sdelay $0x1  }
0xa7: {  	s23 =	simm.s32 $0x1B8B  }
0xa8: {  	_ =	swait.ge [sflag:s23], $0x1  }
0xa9: {  	[sflag:s23] =	ssyncset.done $0x0  }
0xaa: {  	s25 =	simm.s32 $0x1B8E;
	s24 =	sld [smem:$0x3FFE];
	[sflag:s23] =	ssyncadd.s32 $0xFFFFFFFF  }
0xab: {  	s26 =	simm.s32 $execute0_lowered;
	[smem:$0x3FD2] =	sst s25  }
0xac: {  	s6 =	sshll.u32 s26, $0x1;
	_ =	strace $0x80000046;
	[dreg:$0x1] =	wrdreg $0xFFFFFFFF  }
0xad: {  	s28 =	simm.s32 $_size_execute0_lowered;
	s4 =	sadd.s32 s4, s6;
	[dreg:$0x0] =	wrdreg $0x0  }
0xae: {  	s6 =	sshll.u32 s28, $0x1;
	[dreg:$0x2] =	wrdreg s4  }
0xaf: {  	[dreg:$0x3] =	wrdreg s6  }
0xb0: {  	[dreg:$0x4] =	wrdreg $0xC0  }
0xb1: {  	_ =	task [dreg:s8], $0x5FFFF  }
0xb2: {  	[dreg:$0x1] =	wrdreg $0xFFFFFFFF  }
0xb3: {  	[dreg:$0x0] =	wrdreg $0x60  }
0xb4: {  	[dreg:$0x2] =	wrdreg s15  }
0xb5: {  	[dreg:$0x3] =	wrdreg s24  }
0xb6: {  	[dreg:$0x4] =	wrdreg s16  }
0xb7: {  	[dreg:$0x5] =	wrdreg $0x9  }
0xb8: {  	_ =	task.clear_ibuf [dreg:s8], $0x6FFFF;
	_ =	strace $0x90000046  }
0xb9: {  	s29 =	simm.s32 $0x9;
	_ =	strace $0x80000048  }
0xba: {  	_ =	swait.ge [sflag:s29], $0x1  }
0xbb: {  	[sflag:s29] =	ssyncadd.s32 $0xFFFFFFFF  }
0xbc: {  	_ =	strace $0x90000048  }
0xbd: {  	_ =	sfence  }
0xbe: {  	s30 =	sld [smem:$0x0];
	_ =	sdelay $0x2  }
0xbf: {  	s31 =	sshll.u32 s1, $0xD;
	s1 =	sshrl.u32 s1, $0x2  }
0xc0: {  	s3 =	sand.u32 $0x4000, s31;
	s1 =	sadd.s32 s1, s30  }
0xc1: {  	s0 =	sor.u32 s3, s0;
	s1 =	sshll.u32 s1, $0x11  }
0xc2: {  	s0 =	sor.u32 s1, s0  }
0xc3: {  	s0 =	sadd.s32 $0x8F2B, s0  }
0xc4: {  	[sflag:s0] =	ssyncadd.remote.s32 $0x1  }
0xc5: {  	_ =	sfence.sel $0xFFFF  }
0xc6: {  	[dreg:$0x0] =	wrdreg $0xFFFFFFFF;
	(pc) =	sbr.abs _section_cstart, $3  }
0xc7: {  	[dreg:$0x1] =	wrdreg $0xFFFFFFFF  }
0xc8: {  	_ =	task.clear_ibuf [dreg:s8], $0x2FFFF;
	_ =	strace $0x9FFFFFFF  }
0xc9: {  	(tm) =	ssettm $0x7FFFFFFF  }
tec
execute0_lowered:
.L_overlay_start_1:
0x0: {  	(tag) =	ssettag $0x1  }
0x1: {  	s6 =	rddreg [dreg:$0x0]  }
0x2: {  	s0 =	srdreg.scid;
	s19 =	rddreg [dreg:$0x1]  }
0x3: {  	s4 =	stileid.u32;
	s10 =	rddreg [dreg:$0x2]  }
0x4: {  	s3 =	simm.s32 $0x1;
	s2 =	simm.s32 $0x0;
	s15 =	simm.s32 $0x80  }
0x5: {  	s16 =	simm.s32 $0x400;
	s17 =	simm.s32 $0x2000;
	s0 =	sand.u32 $0x1, s0  }
0x6: {  	s18 =	simm.s32 $0x4000;
	s28 =	simm.s32 $0xC300;
	s1 =	sor.u32 s0, s4  }
0x7: {  	s29 =	simm.s32 $0x0;
	p1 =	seq.s32 s0, $0x1;
	p0 =	seq.s32 s1, $0x0  }
0x8: {  	[smem:$0x7FF] =	sst s2;
	s11 =	sadd.s32 $0x200600, s19;
	p0 =	por !p0, !p1  }
0x9: {  	_ =	strace $0x80000047;
	s20 =	ssub.s32 $0x2, s0;
	p0 =	por !p0, !p0  }
0xa: {  	s0 =	sshll.u32 s0, $0xB;
	s21 =	sshrl.u32 s20, $0x1;
	s3 =	simm.s32 @!p0 $0x0  }
0xb: {  	s1 =	sadd.s32 $0x600, s19;
	s14 =	ssub.s32 s20, s21;
	s8 =	ssub.s32 s4, s3  }
0xc: {  	s14 =	smax.u32 s14, $0x1;
	s7 =	sshrl.u32 s8, $0x3;
	s3 =	sshll.u32 s8, $0x7  }
0xd: {  	s26 =	sshll.u32 s8, $0xE;
	s5 =	sshll.u32 s7, $0x10;
	s9 =	sand.u32 $0x380, s3  }
0xe: {  	s3 =	simm.s32 $0x1;
	s7 =	sshll.u32 s7, $0xC;
	s12 =	sor.u32 s9, s5  }
0xf: {  	s23 =	sor.u32 s0, s9;
	s22 =	sadd.s32 $0x20000, s12;
	s5 =	sshrl.u32 s12, $0x3  }
0x10: {  	s12 =	sadd.s32 $0x40000, s12;
	s13 =	sshrl.u32 s22, $0x3;
	s4 =	sadd.s32 s6, s5  }
0x11: {  	s12 =	sshrl.u32 s12, $0x3;
	s22 =	simm.s32 $0x800;
	s5 =	sadd.s32 s6, s13  }
0x12: {  	s13 =	sor.u32 s7, s23;
	s7 =	sor.u32 s0, s7;
	s6 =	sadd.s32 s6, s12  }
0x13: {  	s0 =	sor.u32 s0, s26;
	s23 =	simm.s32 $0x1000;
	s26 =	simm.s32 $0xA300  }
0x14: {  	s24 =	sshrl.u32 s13, $0x3;
	s9 =	sor.u32 s9, s7;
	s30 =	sshrl.u32 s0, $0x3  }
0x15: {  	s31 =	sadd.s32 $0x40000, s0;
	s0 =	sadd.s32 $0x80000, s0;
	s7 =	sadd.s32 s11, s24  }
0x16: {  	s25 =	sadd.s32 $0x2000, s9;
	s9 =	sadd.s32 $0x4000, s9;
	s10 =	sadd.s32 s10, s30  }
0x17: {  	s0 =	sshrl.u32 s0, $0x3;
	s12 =	sshrl.u32 s25, $0x3;
	s9 =	sshrl.u32 s9, $0x3  }
0x18: {  	s13 =	sadd.s32 s1, s0;
	s8 =	sadd.s32 s11, s12;
	s12 =	sshrl.u32 s31, $0x3  }
0x19: {  	s9 =	sadd.s32 s11, s9;
	s11 =	sadd.s32 s1, s30;
	s12 =	sadd.s32 s1, s12  }
.LBB2_1:
0x1a: {  	[tilespmem:s2], [sflag:$0x1] =	stream.strided.gather [hbm4b:s4+s15], $0x2000, s16, s15, $0x38;
	[tilespmem:$0xE300] =	vst v63  }
0x1b: {  	_ =	swait.ge [sflag:s3], $0x2000  }
0x1c: {  	[sflag:s3] =	ssyncset.done $0x0  }
0x1d: {  	[sflag:s3] =	ssyncadd.s32 $0xFFFFE000  }
0x1e: {  	[tilespmem:s17], [sflag:$0x1] =	stream.strided.gather [hbm4b:s5+s15], $0x2000, s16, s15, $0x38;
	[tilespmem:$0xE300] =	vst v63  }
0x1f: {  	_ =	swait.ge [sflag:s3], $0x2000  }
0x20: {  	[sflag:s3] =	ssyncset.done $0x0  }
0x21: {  	[sflag:s3] =	ssyncadd.s32 $0xFFFFE000  }
0x22: {  	[tilespmem:s18], [sflag:$0x1] =	stream.strided.gather [hbm4b:s6+s15], $0x2000, s16, s15, $0x38;
	[tilespmem:$0xE300] =	vst v63  }
0x23: {  	_ =	swait.ge [sflag:s3], $0x2000  }
0x24: {  	[sflag:s3] =	ssyncset.done $0x0  }
0x25: {  	s0 =	simm.s32 $0x6000;
	[sflag:s3] =	ssyncadd.s32 $0xFFFFE000  }
0x26: {  	[tilespmem:s0], [sflag:$0x1] =	stream.strided.gather [hbm4b:s7+s15], $0x100, s16, s15, $0x38;
	[tilespmem:$0xE300] =	vst v63  }
0x27: {  	_ =	swait.ge [sflag:s3], $0x100  }
0x28: {  	[sflag:s3] =	ssyncset.done $0x0  }
0x29: {  	s19 =	simm.s32 $0x6100;
	[sflag:s3] =	ssyncadd.s32 $0xFFFFFF00  }
0x2a: {  	[tilespmem:s19], [sflag:$0x1] =	stream.strided.gather [hbm4b:s8+s15], $0x100, s16, s15, $0x38;
	[tilespmem:$0xE300] =	vst v63  }
0x2b: {  	_ =	swait.ge [sflag:s3], $0x100  }
0x2c: {  	[sflag:s3] =	ssyncset.done $0x0  }
0x2d: {  	s20 =	simm.s32 $0x6200;
	[sflag:s3] =	ssyncadd.s32 $0xFFFFFF00  }
0x2e: {  	[tilespmem:s20], [sflag:$0x1] =	stream.strided.gather [hbm4b:s9+s15], $0x100, s16, s15, $0x38;
	[tilespmem:$0xE300] =	vst v63  }
0x2f: {  	s21 =	simm.s32 $0x6300;
	_ =	swait.ge [sflag:s3], $0x100  }
0x30: {  	s24 =	simm.s32 $0x0;
	s1 =	sand.u32 $0x1800, s2;
	[sflag:s3] =	ssyncset.done $0x0  }
0x31: {  	s30 =	simm.s32 $0x0;
	s19 =	sand.u32 $0x380, s2;
	[sflag:s3] =	ssyncadd.s32 $0xFFFFFF00  }
0x32: {  	[tilespmem:s21], [sflag:$0x1] =	stream.strided.gather [hbm4b:s10+s22], $0x2000, s23, s22, $0x38;
	[tilespmem:$0xE300] =	vst v63  }
0x33: {  	s1 =	sor.u32 s1, s19;
	s20 =	sand.u32 $0x70, s24;
	_ =	swait.ge [sflag:s3], $0x2000  }
0x34: {  	s25 =	sand.u32 $0x400, s30;
	s1 =	sor.u32 s20, s1;
	[sflag:s3] =	ssyncset.done $0x0  }
0x35: {  	s30 =	sor.u32 s25, s1;
	[sflag:s3] =	ssyncadd.s32 $0xFFFFE000  }
0x36: {  	v0 =	vld [tilespmem:s30+$0x6300];
	_ =	sdelay $0x5  }
0x37: {  	s0 =	sand.u32 $0xF0, s24  }
0x38: {  	v2 =	vld [tilespmem:s0+$0x6000]  }
0x39: {  	v1 =	vld.idx.msk [tilespmem:v0+s2+$0x0], $0xffff;
	_ =	sdelay $0x4  }
0x3a: {  	v1 =	vsub.f32 v1, v2  }
0x3b: {  	v3 =	vld [tilespmem:s0+$0x6200]  }
0x3c: {  	v2 =	vld [tilespmem:s0+$0x6100];
	[tilespmem:s30+$0x8300] =	vst v1  }
0x3d: {  	v1 =	vld.idx.msk [tilespmem:v0+s17+$0x0], $0xffff;
	_ =	sdelay $0x3  }
0x3e: {  	s31 =	simm.s32 $0x80;
	s1 =	simm.s32 $0x100  }
0x3f: {  	s19 =	simm.s32 $0x0;
	s24 =	sand.u32 $0x380, s31;
	s20 =	sand.u32 $0x1800, s1;
	v1 =	vsub.f32 v1, v2  }
0x40: {  	s25 =	simm.s32 $0x4;
	s21 =	sand.u32 $0x70, s19;
	s0 =	sor.u32 s20, s24  }
0x41: {  	s20 =	sand.u32 $0x400, s25;
	s0 =	sor.u32 s21, s0;
	[tilespmem:s30+$0xA300] =	vst v1  }
0x42: {  	s20 =	sor.u32 s20, s0;
	v1 =	vld.idx.msk [tilespmem:v0+s18+$0x0], $0xffff  }
0x43: {  	v0 =	vld [tilespmem:s20+$0x6300];
	_ =	sdelay $0x4  }
0x44: {  	s0 =	simm.s32 $0x2;
	v1 =	vsub.f32 v1, v3  }
.LBB2_2:
0x45: {  	_ = 	snop  }
0x46: {  	p0 =	sne.s32 s0, $0x1FF;
	s21 =	smov.u32 s0;
	s0 =	sadd.s32 $0x1, s0;
	[tilespmem:s30+$0xC300] =	vst v1  }
0x47: {  	s19 =	sand.u32 $0xF0, s19;
	s30 =	smov.u32 s20;
	v1 =	vld.idx.msk [tilespmem:v0+s2+$0x0], $0xffff  }
0x48: {  	v2 =	vld [tilespmem:s19+$0x6000];
	_ =	sdelay $0x4  }
0x49: {  	v3 =	vld [tilespmem:s19+$0x6200];
	v1 =	vsub.f32 v1, v2  }
0x4a: {  	v2 =	vld [tilespmem:s19+$0x6100]  }
0x4b: {  	[tilespmem:s30+$0x8300] =	vst v1  }
0x4c: {  	v1 =	vld.idx.msk [tilespmem:v0+s17+$0x0], $0xffff;
	_ =	sdelay $0x4  }
0x4d: {  	s31 =	sadd.s32 $0x80, s31;
	s1 =	sadd.s32 $0x100, s1  }
0x4e: {  	s20 =	sand.u32 $0x1800, s1;
	s24 =	sand.u32 $0x380, s31;
	s19 =	sshrl.u32 s21, $0x1;
	v1 =	vsub.f32 v1, v2  }
0x4f: {  	s20 =	sor.u32 s20, s24;
	s21 =	sshll.u32 s21, $0x2;
	s25 =	sand.u32 $0x70, s19  }
0x50: {  	s21 =	sand.u32 $0x400, s21;
	s20 =	sor.u32 s25, s20;
	[tilespmem:s30+$0xA300] =	vst v1  }
0x51: {  	s20 =	sor.u32 s21, s20;
	v1 =	vld.idx.msk [tilespmem:v0+s18+$0x0], $0xffff  }
0x52: {  	v0 =	vld [tilespmem:s20+$0x6300]  }
.Ltmp0:
0x53: {  	(pc) =	sbr.rel @p0 .LBB2_2-.Ltmp0, $2  }
0x54: {  	_ =	sdelay $0x2  }
0x55: {  	v1 =	vsub.f32 v1, v3  }
0x56: {  	_ =	sdelay $0x2  }
0x57: {  	[tilespmem:s30+$0xC300] =	vst v1  }
0x58: {  	s0 =	sand.u32 $0xF0, s19;
	v1 =	vld.idx.msk [tilespmem:v0+s2+$0x0], $0xffff  }
0x59: {  	v2 =	vld [tilespmem:s0+$0x6000];
	_ =	sdelay $0x4  }
0x5a: {  	v1 =	vsub.f32 v1, v2  }
0x5b: {  	v3 =	vld [tilespmem:s0+$0x6200]  }
0x5c: {  	v62 =	vld [tilespmem:s0+$0x6100];
	[tilespmem:s20+$0x8300] =	vst v1  }
0x5d: {  	v1 =	vld.idx.msk [tilespmem:v0+s17+$0x0], $0xffff;
	_ =	sdelay $0x4  }
0x5e: {  	v1 =	vsub.f32 v1, v62;
	_ =	sdelay $0x1  }
0x5f: {  	[tilespmem:s20+$0xA300] =	vst v1  }
0x60: {  	v63 =	vld.idx.msk [tilespmem:v0+s18+$0x0], $0xffff;
	_ =	sdelay $0x4  }
0x61: {  	v0 =	vsub.f32 v63, v3;
	_ =	sdelay $0x1  }
0x62: {  	s31 =	simm.s32 $0x8300;
	[tilespmem:s20+$0xC300] =	vst v0  }
0x63: {  	[hbm4b:s11+s22] =	stream.strided.scatter [tilespmem:s31], [sflag:$0x1], $0x2000, s23, s22, $0x38;
	[tilespmem:$0xE300] =	vst v63  }
0x64: {  	_ =	swait.ge [sflag:s3], $0x2000  }
0x65: {  	[sflag:s3] =	ssyncset.done $0x0  }
0x66: {  	[sflag:s3] =	ssyncadd.s32 $0xFFFFE000  }
0x67: {  	[hbm4b:s12+s22] =	stream.strided.scatter [tilespmem:s26], [sflag:$0x1], $0x2000, s23, s22, $0x38;
	[tilespmem:$0xE300] =	vst v63  }
0x68: {  	s29 =	sadd.s32 $0x1, s29;
	_ =	swait.ge [sflag:s3], $0x2000  }
0x69: {  	p0 =	sne.s32 s29, s14;
	[sflag:s3] =	ssyncset.done $0x0  }
.Ltmp1:
0x6a: {  	[sflag:s3] =	ssyncadd.s32 $0xFFFFE000;
	(pc) =	sbr.rel @p0 .LBB2_1-.Ltmp1, $4  }
0x6b: {  	[hbm4b:s13+s22] =	stream.strided.scatter [tilespmem:s28], [sflag:$0x1], $0x2000, s23, s22, $0x38;
	[tilespmem:$0xE300] =	vst v63  }
0x6c: {  	_ =	swait.ge [sflag:s3], $0x2000  }
0x6d: {  	[sflag:s3] =	ssyncset.done $0x0  }
0x6e: {  	[sflag:s3] =	ssyncadd.s32 $0xFFFFE000  }
0x6f: {  	_ =	sfence.sel $0x180000  }
0x70: {  	[bflag:$0x0] =	sbarrier.arrive $0xFFFF  }
0x71: {  	_ =	strace $0x90000047  }
0x72: {  	s0 =	stileid.u32;
	[bflag:$0x2] =	sbarrier.arrive $0xFFFF  }
0x73: {  	p0 =	sne.s32 s0, $0x0;
	s0 =	rddreg [dreg:$0x3]  }
0x74: {  	s0 =	sadd.s32 @!p0 $0x100000, s0  }
0x75: {  	[sflag:s0] =	ssyncadd.tile.s32 @!p0 $0x1;
	_ =	shalt  }
.Lfunc_end2:
_tile_overlayer_lowered:
.L_overlay_start_2:
0x76: {  	(tag) =	ssettag $0x2  }
0x77: {  	s0 =	rddreg [dreg:$0x0];
	s2 =	stileid.u32  }
0x78: {  	s1 =	rddreg [dreg:$0x1];
	p0 =	sne.s32 s2, $0x0  }
0x79: {  	s3 =	rddreg [dreg:$0x2];
	[bflag:$0x3] =	sbarrier.arrive $0xFFFF;
	s2 =	simm.s32 @!p0 $0x1C01  }
0x7a: {  	[timem:s3], [sflag:s2] =	dma.local @!p0 [hbm:s0], s1  }
0x7b: {  	s0 =	simm.s32 @!p0 $0x1  }
0x7c: {  	_ =	swait.ge @!p0 [sflag:s0], s1  }
0x7d: {  	s1 =	ssub.s32 @!p0 $0x0, s1;
	[sflag:s0] =	ssyncset.done @!p0 $0x0  }
0x7e: {  	[sflag:s0] =	ssyncadd.s32 @!p0 s1  }
0x7f: {  	[bflag:$0x3] =	sbarrier.arrive $0xFFFF  }
0x80: {  	_ =	shalt  }

</sc_bundles>
